<compile_context>
chip_gen: v7x
topology: tpu7x:2x2x1
jax: 0.10.2.dev20260603
libtpu: 0.0.44.dev20260713+nightly
codegen_flags: <defaults>
</compile_context>

<pallas_src>
import functools

import jax
import jax.numpy as jnp
from jax import lax
from jax.experimental import pallas as pl
from jax.experimental.pallas import tpu as pltpu
from jax.experimental.pallas import tpu_sc as plsc

D_PROJ = 1024
CUT0, CUT1, CUT2 = 20000, 60000, 100000
TBS = 256


def _dotT(a, b):
    return jax.lax.dot_general(a, b, (((1,), (1,)), ((), ())),
                               preferred_element_type=jnp.float32)


def _dot(a, b):
    return jax.lax.dot_general(a, b, (((1,), (0,)), ((), ())),
                               preferred_element_type=jnp.float32)



def _sc_gather(w0, w1, w2, i0, i1, i2):
    T = i0.shape[0]
    info = plsc.get_sparse_core_info()
    nw = info.num_cores * info.num_subcores
    b_per_w = T // nw
    ch = b_per_w
    n_ch = b_per_w // ch
    mesh = plsc.VectorSubcoreMesh(core_axis_name="c", subcore_axis_name="s")

    @functools.partial(
        pl.kernel, mesh=mesh,
        out_type=[jax.ShapeDtypeStruct((T, w0.shape[1]), jnp.float32),
                  jax.ShapeDtypeStruct((T, w1.shape[1]), jnp.float32),
                  jax.ShapeDtypeStruct((T, w2.shape[1]), jnp.float32)],
        scratch_types=[
            pltpu.VMEM((ch,), jnp.int32),
            pltpu.VMEM((ch,), jnp.int32),
            pltpu.VMEM((ch,), jnp.int32),
            pltpu.VMEM((ch, w0.shape[1]), jnp.float32),
            pltpu.VMEM((ch, w1.shape[1]), jnp.float32),
            pltpu.VMEM((ch, w2.shape[1]), jnp.float32),
            pltpu.SemaphoreType.DMA,
            pltpu.SemaphoreType.DMA,
            pltpu.SemaphoreType.DMA,
        ],
    )
    def k(w0_hbm, w1_hbm, w2_hbm, i0_hbm, i1_hbm, i2_hbm,
          o0, o1, o2, iv0, iv1, iv2, r0, r1, r2, s0, s1, s2):
        wid = lax.axis_index("s") * info.num_cores + lax.axis_index("c")
        base = wid * b_per_w
        for c in range(n_ch):
            off = base + c * ch
            pltpu.sync_copy(i0_hbm.at[pl.ds(off, ch)], iv0)
            pltpu.sync_copy(i1_hbm.at[pl.ds(off, ch)], iv1)
            pltpu.sync_copy(i2_hbm.at[pl.ds(off, ch)], iv2)
            d0 = pltpu.async_copy(w0_hbm.at[iv0], r0, s0)
            d1 = pltpu.async_copy(w1_hbm.at[iv1], r1, s1)
            d2 = pltpu.async_copy(w2_hbm.at[iv2], r2, s2)
            d0.wait()
            d1.wait()
            d2.wait()
            pltpu.sync_copy(r0, o0.at[pl.ds(off, ch)])
            pltpu.sync_copy(r1, o1.at[pl.ds(off, ch)])
            pltpu.sync_copy(r2, o2.at[pl.ds(off, ch)])

    return k(w0, w1, w2, i0, i1, i2)



def _route_body(t_row_ref, h_ref, proj1_ref, proj2_ref,
                pos_ref, cnt_ref, ph1_ref, ph2_ref, ph1s_ref, ph2s_ref):
    T = h_ref.shape[0]
    t = t_row_ref[...]
    cid = (t >= CUT0).astype(jnp.int32) + (t >= CUT1).astype(jnp.int32)
    rid = jax.lax.broadcasted_iota(jnp.int32, (8, T), 0)
    mask8 = (rid == cid).astype(jnp.bfloat16)
    ri = jax.lax.broadcasted_iota(jnp.int32, (T, T), 0)
    ci = jax.lax.broadcasted_iota(jnp.int32, (T, T), 1)
    tri = (ri <= ci).astype(jnp.bfloat16)
    cums = _dot(mask8, tri)
    n0 = cums[0:1, T - 1:T]
    n1 = cums[1:2, T - 1:T]
    cnt_ref[...] = jnp.concatenate(
        [n0, n1, cums[2:3, T - 1:T],
         jnp.zeros((1, 5), jnp.float32)], axis=1).astype(jnp.int32)
    m0 = mask8[0:1].astype(jnp.float32)
    m1 = mask8[1:2].astype(jnp.float32)
    m2 = mask8[2:3].astype(jnp.float32)
    own = m0 * cums[0:1] + m1 * cums[1:2] + m2 * cums[2:3]
    off = m1 * n0 + m2 * (n0 + n1)
    pos = (own + off - 1.0).astype(jnp.int32)
    pos_ref[...] = pos
    rj = jax.lax.broadcasted_iota(jnp.int32, (T, T), 0)
    a_t = (rj == pos).astype(jnp.bfloat16)
    ph1 = _dot(h_ref[...], proj1_ref[...]).astype(jnp.bfloat16)
    ph2 = _dot(h_ref[...], proj2_ref[...]).astype(jnp.bfloat16)
    ph1_ref[...] = ph1
    ph2_ref[...] = ph2
    ph1s_ref[...] = _dot(a_t, ph1).astype(jnp.bfloat16)
    ph2s_ref[...] = _dot(a_t, ph2).astype(jnp.bfloat16)


def _route_call(t_row, h, proj1, proj2):
    T, D = h.shape
    k1, k2 = proj1.shape[1], proj2.shape[1]
    full = lambda *s: pl.BlockSpec(s, lambda: (0,) * len(s))
    return pl.pallas_call(
        _route_body,
        in_specs=[full(1, T), full(T, D), full(D, k1), full(D, k2)],
        out_specs=[full(1, T), full(1, 8), full(T, k1), full(T, k2),
                   full(T, k1), full(T, k2)],
        out_shape=[jax.ShapeDtypeStruct((1, T), jnp.int32),
                   jax.ShapeDtypeStruct((1, 8), jnp.int32),
                   jax.ShapeDtypeStruct((T, k1), jnp.bfloat16),
                   jax.ShapeDtypeStruct((T, k2), jnp.bfloat16),
                   jax.ShapeDtypeStruct((T, k1), jnp.bfloat16),
                   jax.ShapeDtypeStruct((T, k2), jnp.bfloat16)],
    )(t_row, h, proj1, proj2)



def _head_body(h_ref, proj_ref, w_ref, b_ref,
               s_ref, ca_ref, cb_ref, ph_out_ref, ph_scr,
               *, v_tile, c_pos):
    v = pl.program_id(0)

    @pl.when(v == 0)
    def _init():
        ph = _dot(h_ref[...], proj_ref[...]).astype(jnp.bfloat16)
        ph_scr[...] = ph
        ph_out_ref[...] = ph
        s_ref[...] = jnp.zeros_like(s_ref)
        ca_ref[...] = jnp.zeros_like(ca_ref)
        cb_ref[...] = jnp.zeros_like(cb_ref)

    logits = _dotT(ph_scr[...], w_ref[...]) + b_ref[...]
    s_ref[...] += jnp.sum(jnp.exp(logits), axis=1, keepdims=True)
    c_tile, c_loc = c_pos

    @pl.when(v == c_tile)
    def _cl():
        ca_ref[...] = logits[:, c_loc:c_loc + 1]
        cb_ref[...] = logits[:, c_loc + 1:c_loc + 2]


def _head_call(h, proj, w, b, v_tile, c_pos):
    T, D = h.shape
    K = proj.shape[1]
    n_tiles = w.shape[0] // v_tile
    full = lambda *s: pl.BlockSpec(s, lambda v: (0,) * len(s))
    out1 = jax.ShapeDtypeStruct((T, 1), jnp.float32)
    return pl.pallas_call(
        functools.partial(_head_body, v_tile=v_tile, c_pos=c_pos),
        grid=(n_tiles,),
        in_specs=[
            full(T, D), full(D, K),
            pl.BlockSpec((v_tile, K), lambda v: (v, 0)),
            pl.BlockSpec((1, v_tile), lambda v: (0, v)),
        ],
        out_specs=[full(T, 1)] * 3 + [full(T, K)],
        out_shape=[out1] * 3 + [jax.ShapeDtypeStruct((T, K), jnp.bfloat16)],
        scratch_shapes=[pltpu.VMEM((T, K), jnp.bfloat16)],
        compiler_params=pltpu.CompilerParams(
            dimension_semantics=("arbitrary",)),
    )(h, proj, w, b)



def _tail_body(cnt_ref, ph_ref, w_ref, b_ref, s_ref,
               *, v_tile, cluster):
    v = pl.program_id(0)

    @pl.when(v == 0)
    def _init():
        s_ref[...] = jnp.zeros_like(s_ref)

    n0 = cnt_ref[0, 0]
    n1 = cnt_ref[0, 1]
    if cluster == 1:
        start, end = n0, n0 + n1
    else:
        start, end = n0 + n1, n0 + n1 + cnt_ref[0, 2]
    blk0 = start // TBS
    blk1 = (end + TBS - 1) // TBS

    def _blk(tb, carry):
        rows = pl.ds(tb * TBS, TBS)
        logits = _dotT(ph_ref[rows, :], w_ref[...]) + b_ref[...]
        s_ref[rows, :] += jnp.sum(jnp.exp(logits), axis=1, keepdims=True)
        return carry

    jax.lax.fori_loop(blk0, blk1, _blk, 0)


def _tail_call(cnt, ph_s, w, b, v_tile, cluster):
    T, K = ph_s.shape
    n_tiles = w.shape[0] // v_tile
    full = lambda *s: pl.BlockSpec(s, lambda v: (0,) * len(s))
    return pl.pallas_call(
        functools.partial(_tail_body, v_tile=v_tile, cluster=cluster),
        grid=(n_tiles,),
        in_specs=[
            pl.BlockSpec(memory_space=pltpu.SMEM),
            full(T, K),
            pl.BlockSpec((v_tile, K), lambda v: (v, 0)),
            pl.BlockSpec((1, v_tile), lambda v: (0, v)),
        ],
        out_specs=[full(T, 1)],
        out_shape=[jax.ShapeDtypeStruct((T, 1), jnp.float32)],
        compiler_params=pltpu.CompilerParams(
            dimension_semantics=("arbitrary",)),
    )(cnt, ph_s, w, b)[0]



def _combine_body(t_ref, pos_ref, s0_ref, ca_ref, cb_ref,
                  ph0_ref, wg0_ref, ph1_ref, wg1_ref, ph2_ref, wg2_ref,
                  s1_ref, s2_ref, nll_ref):
    T = t_ref.shape[0]
    t = t_ref[...]
    tg0 = jnp.sum(ph0_ref[...].astype(jnp.float32) * wg0_ref[...],
                  axis=1, keepdims=True)
    tg1 = jnp.sum(ph1_ref[...].astype(jnp.float32) * wg1_ref[...],
                  axis=1, keepdims=True)
    par = (t - CUT1) % 2
    wg2 = jnp.where(par == 1, wg2_ref[:, 64:128], wg2_ref[:, 0:64])
    tg2 = jnp.sum(ph2_ref[...].astype(jnp.float32) * wg2,
                  axis=1, keepdims=True)
    pos = pos_ref[...]
    cols = jax.lax.broadcasted_iota(jnp.int32, (T, T), 1)
    bmat = (cols == pos).astype(jnp.bfloat16)
    packed = jnp.concatenate(
        [s1_ref[...], s2_ref[...],
         jnp.zeros((T, 126), jnp.float32)], axis=1).astype(jnp.bfloat16)
    back = _dot(bmat, packed)
    s1, s2 = back[:, 0:1], back[:, 1:2]
    lse0 = jnp.log(s0_ref[...])
    nll0 = lse0 - tg0
    nll1 = lse0 - cb_ref[...] + jnp.log(s1) - tg1
    nll2 = lse0 - ca_ref[...] + jnp.log(s2) - tg2
    nll_ref[...] = jnp.where(t < CUT0, nll0, jnp.where(t < CUT1, nll1, nll2))



def _prep(w, b, v_pad):
    v = w.shape[0]
    wp = jnp.pad(w, ((0, v_pad - v), (0, 0))).astype(jnp.bfloat16)
    bp = jnp.pad(b, (0, v_pad - v), constant_values=-1e9).reshape(1, -1)
    return wp, bp.astype(jnp.float32)


def kernel(hidden, target, w0, b0, cluster_w, cluster_b, proj0,
           w1, b1, proj1, w2, b2, proj2):
    tgt_shape = target.shape
    h = hidden.reshape(-1, D_PROJ).astype(jnp.bfloat16)
    t_row = target.reshape(1, -1).astype(jnp.int32)
    t2d = target.reshape(-1, 1).astype(jnp.int32)
    t1d = target.reshape(-1).astype(jnp.int32)
    T = h.shape[0]

    w0p, b0p = _prep(jnp.concatenate([w0, cluster_w], axis=0),
                     jnp.concatenate([b0, cluster_b], axis=0), 20480)
    w1p, b1p = _prep(w1, b1, 40960)
    w2p, b2p = _prep(w2, b2, 40960)

    i0 = jnp.minimum(t1d, CUT0 - 1)
    i1 = jnp.clip(t1d - CUT0, 0, CUT1 - CUT0 - 1)
    i2 = jnp.clip(t1d - CUT1, 0, CUT2 - CUT1 - 1) // 2
    w2r = w2.reshape(-1, 128)
    wg0, wg1, wg2 = _sc_gather(w0, w1, w2r, i0, i1, i2)

    pos_row, cnt, ph1, ph2, ph1s, ph2s = _route_call(
        t_row, h, proj1.astype(jnp.bfloat16), proj2.astype(jnp.bfloat16))
    pos_col = pos_row.reshape(T, 1)

    vt_h, vt_t = 1024, 4096
    c_pos = (CUT0 // vt_h, CUT0 % vt_h)
    s0, ca, cb, ph0 = _head_call(h, proj0.astype(jnp.bfloat16), w0p, b0p,
                                 vt_h, c_pos)
    s1 = _tail_call(cnt, ph1s, w1p, b1p, vt_t, 1)
    s2 = _tail_call(cnt, ph2s, w2p, b2p, vt_t, 2)

    full = pl.BlockSpec((T, 1), lambda: (0, 0))
    fullk = lambda k: pl.BlockSpec((T, k), lambda: (0, 0))
    nll = pl.pallas_call(
        _combine_body,
        in_specs=[full, full, full, full, full,
                  fullk(1024), fullk(1024), fullk(256), fullk(256),
                  fullk(64), fullk(128), full, full],
        out_specs=full,
        out_shape=jax.ShapeDtypeStruct((T, 1), jnp.float32),
    )(t2d, pos_col, s0, ca, cb, ph0, wg0, ph1, wg1, ph2, wg2, s1, s2)
    return nll.reshape(tgt_shape)

# --- scband reference (transcript-rebuilt; emitter-appended) ---
"""Pipeline reference for scband-projected-adaptive-log-softmax-18270790877731 (READ-ONLY COPY).

The authoritative reference and input builder live on the scoring server;
editing this copy changes nothing except your own understanding.
"""

import jax, jax.numpy as jnp
import numpy as np

N_TOKENS = 100000
CUTOFF_ENDS = [0, 20000, 60000, 100000]
D_EMBED = 1024
D_PROJ = 1024
DIV_VAL = 4
B, S = 1, 2048


def setup_inputs(seed: int = 0):
    key = jax.random.key(seed)
    ks = jax.random.split(key, 12)
    hidden = jax.random.normal(ks[0], (B, S, D_PROJ), dtype=jnp.float32)
    target = jax.random.randint(ks[1], (B, S), 0, N_TOKENS)
    # cluster 0 (shortlist): d_emb0 = 1024
    w0 = jax.random.normal(ks[2], (20000, 1024), dtype=jnp.float32) * 0.02
    b0 = jnp.zeros((20000,), dtype=jnp.float32)
    cluster_w = jax.random.normal(ks[3], (2, 1024), dtype=jnp.float32) * 0.02
    cluster_b = jnp.zeros((2,), dtype=jnp.float32)
    proj0 = jax.random.normal(ks[4], (1024, 1024), dtype=jnp.float32) * 0.02
    # cluster 1: d_emb1 = 1024 // 4 = 256, vocab slice 20000..60000
    w1 = jax.random.normal(ks[5], (40000, 256), dtype=jnp.float32) * 0.02
    b1 = jnp.zeros((40000,), dtype=jnp.float32)
    proj1 = jax.random.normal(ks[6], (1024, 256), dtype=jnp.float32) * 0.02
    # cluster 2: d_emb2 = 1024 // 16 = 64, vocab slice 60000..100000
    w2 = jax.random.normal(ks[7], (40000, 64), dtype=jnp.float32) * 0.02
    b2 = jnp.zeros((40000,), dtype=jnp.float32)
    proj2 = jax.random.normal(ks[8], (1024, 64), dtype=jnp.float32) * 0.02
    return {"hidden": hidden, "target": target, "w0": w0, "b0": b0,
            "cluster_w": cluster_w, "cluster_b": cluster_b, "proj0": proj0,
            "w1": w1, "b1": b1, "proj1": proj1,
            "w2": w2, "b2": b2, "proj2": proj2}


def _compute_logit(h, weight, bias, proj):
    # F.linear(h, proj.t()) == h @ proj ; F.linear(proj_hid, weight, bias) == proj_hid @ weight.T + bias
    proj_hid = h @ proj
    return proj_hid @ weight.T + bias


def reference(hidden, target, w0, b0, cluster_w, cluster_b, proj0, w1, b1, proj1, w2, b2, proj2):
    tgt_shape = target.shape
    h = hidden.reshape(-1, D_PROJ)
    t = target.reshape(-1)
    # head = shortlist weights concatenated with cluster projection rows
    head_w = jnp.concatenate([w0, cluster_w], axis=0)
    head_b = jnp.concatenate([b0, cluster_b], axis=0)
    head_logit = _compute_logit(h, head_w, head_b, proj0)
    head_logprob = jax.nn.log_softmax(head_logit, axis=1)
    head_size = head_logprob.shape[1]  # shortlist_size + n_clusters = 20002
    nll = jnp.zeros_like(t, dtype=h.dtype)
    # cluster 0 (shortlist)
    left, right = CUTOFF_ENDS[0], CUTOFF_ENDS[1]
    mask0 = (t >= left) & (t < right)
    idx0 = jnp.clip(t - left, 0, right - left - 1)
    lp0 = jnp.take_along_axis(head_logprob, idx0[:, None], axis=1)[:, 0]
    nll = jnp.where(mask0, -lp0, nll)
    # tail clusters (computed for all tokens, then masked-select: same math as index_select path)
    tails = [(w1, b1, proj1), (w2, b2, proj2)]
    for i, (Wi, bi, Pi) in enumerate(tails, start=1):
        left, right = CUTOFF_ENDS[i], CUTOFF_ENDS[i + 1]
        mask_i = (t >= left) & (t < right)
        ti = jnp.clip(t - left, 0, right - left - 1)
        tail_logit = _compute_logit(h, Wi, bi, Pi)
        tail_logprob = jax.nn.log_softmax(tail_logit, axis=1)
        # head_logprob_i[:, -i] quirk from the original module
        cluster_lp = head_logprob[:, head_size - i]
        lp_i = cluster_lp + jnp.take_along_axis(tail_logprob, ti[:, None], axis=1)[:, 0]
        nll = jnp.where(mask_i, -lp_i, nll)
    return nll.reshape(tgt_shape)

if __name__ == "__main__":
    import jax
    _d = setup_inputs()
    print(jax.jit(kernel)(*tuple(_d.values())))

</pallas_src>

<mosaic_0001>
#map = affine_map<(d0, d1) -> (0, 0)>
#map1 = affine_map<(d0, d1) -> (0)>
module attributes {stable_mosaic.version = 14 : i64} {
  func.func @k(%arg0: i32, %arg1: i32, %arg2: memref<20000x1024xf32, #tpu.memory_space<hbm>>, %arg3: memref<40000x256xf32, #tpu.memory_space<hbm>>, %arg4: memref<20000x128xf32, #tpu.memory_space<hbm>>, %arg5: memref<2048xi32, #tpu.memory_space<hbm>>, %arg6: memref<2048xi32, #tpu.memory_space<hbm>>, %arg7: memref<2048xi32, #tpu.memory_space<hbm>>, %arg8: memref<2048x1024xf32, #tpu.memory_space<hbm>>, %arg9: memref<2048x256xf32, #tpu.memory_space<hbm>>, %arg10: memref<2048x128xf32, #tpu.memory_space<hbm>>, %arg11: memref<64xi32, #tpu.memory_space<vmem>>, %arg12: memref<64xi32, #tpu.memory_space<vmem>>, %arg13: memref<64xi32, #tpu.memory_space<vmem>>, %arg14: memref<64x1024xf32, #tpu.memory_space<vmem>>, %arg15: memref<64x256xf32, #tpu.memory_space<vmem>>, %arg16: memref<64x128xf32, #tpu.memory_space<vmem>>, %arg17: memref<!tpu.dma_semaphore, #tpu.memory_space<semaphore_mem>>, %arg18: memref<!tpu.dma_semaphore, #tpu.memory_space<semaphore_mem>>, %arg19: memref<!tpu.dma_semaphore, #tpu.memory_space<semaphore_mem>>) attributes {dimension_semantics = [#tpu.dimension_semantics<core_parallel>, #tpu.dimension_semantics<subcore_parallel>], iteration_bounds = array<i64: 2, 16>, scalar_prefetch = 0 : i64, scratch_operands = 9 : i64, tpu.core_type = #tpu.core_type<sc_vector_subcore>, window_params = [{transform_indices = #map}, {transform_indices = #map}, {transform_indices = #map}, {transform_indices = #map1}, {transform_indices = #map1}, {transform_indices = #map1}, {transform_indices = #map}, {transform_indices = #map}, {transform_indices = #map}]} {
    %mul3A = arith.constant 2 : i32
    %mul3A_0 = arith.muli %arg1, %mul3A : i32
    %add3A = arith.addi %mul3A_0, %arg0 : i32
    %mul3A_1 = arith.constant 64 : i32
    %mul3A_2 = arith.muli %add3A, %mul3A_1 : i32
    %add3A_3 = arith.constant 0 : i32
    %add3A_4 = arith.addi %mul3A_2, %add3A_3 : i32
    "tpu.region"() ({
      %run_scoped3A = tpu.sem_alloc : memref<!tpu.dma_semaphore, #tpu.memory_space<semaphore_mem>>
      %dma_start3A_21 = tpu.memref_slice %arg5[%add3A_4] : memref<2048xi32, #tpu.memory_space<hbm>> -> memref<64xi32, #tpu.memory_space<hbm>>
      %dma_start3A_22 = tpu.memref_slice %arg5[%add3A_4] : memref<2048xi32, #tpu.memory_space<hbm>> -> memref<64xi32, #tpu.memory_space<hbm>>
      tpu.enqueue_dma source(%dma_start3A_22 : memref<64xi32, #tpu.memory_space<hbm>>) target(%arg11 : memref<64xi32, #tpu.memory_space<vmem>>) target_semaphore(%run_scoped3A : memref<!tpu.dma_semaphore, #tpu.memory_space<semaphore_mem>>)
      %dma_wait3A_23 = tpu.memref_slice %arg5[%add3A_4] : memref<2048xi32, #tpu.memory_space<hbm>> -> memref<64xi32, #tpu.memory_space<hbm>>
      %dma_wait3A_24 = tpu.memref_slice %arg5[%add3A_4] : memref<2048xi32, #tpu.memory_space<hbm>> -> memref<64xi32, #tpu.memory_space<hbm>>
      tpu.wait_dma2 semaphore(%run_scoped3A : memref<!tpu.dma_semaphore, #tpu.memory_space<semaphore_mem>>) src(%dma_wait3A_24 : memref<64xi32, #tpu.memory_space<hbm>>) dst(%arg11 : memref<64xi32, #tpu.memory_space<vmem>>)
      tpu.yield
    }) : () -> ()
    "tpu.region"() ({
      %run_scoped3A = tpu.sem_alloc : memref<!tpu.dma_semaphore, #tpu.memory_space<semaphore_mem>>
      %dma_start3A_21 = tpu.memref_slice %arg6[%add3A_4] : memref<2048xi32, #tpu.memory_space<hbm>> -> memref<64xi32, #tpu.memory_space<hbm>>
      %dma_start3A_22 = tpu.memref_slice %arg6[%add3A_4] : memref<2048xi32, #tpu.memory_space<hbm>> -> memref<64xi32, #tpu.memory_space<hbm>>
      tpu.enqueue_dma source(%dma_start3A_22 : memref<64xi32, #tpu.memory_space<hbm>>) target(%arg12 : memref<64xi32, #tpu.memory_space<vmem>>) target_semaphore(%run_scoped3A : memref<!tpu.dma_semaphore, #tpu.memory_space<semaphore_mem>>)
      %dma_wait3A_23 = tpu.memref_slice %arg6[%add3A_4] : memref<2048xi32, #tpu.memory_space<hbm>> -> memref<64xi32, #tpu.memory_space<hbm>>
      %dma_wait3A_24 = tpu.memref_slice %arg6[%add3A_4] : memref<2048xi32, #tpu.memory_space<hbm>> -> memref<64xi32, #tpu.memory_space<hbm>>
      tpu.wait_dma2 semaphore(%run_scoped3A : memref<!tpu.dma_semaphore, #tpu.memory_space<semaphore_mem>>) src(%dma_wait3A_24 : memref<64xi32, #tpu.memory_space<hbm>>) dst(%arg12 : memref<64xi32, #tpu.memory_space<vmem>>)
      tpu.yield
    }) : () -> ()
    "tpu.region"() ({
      %run_scoped3A = tpu.sem_alloc : memref<!tpu.dma_semaphore, #tpu.memory_space<semaphore_mem>>
      %dma_start3A_21 = tpu.memref_slice %arg7[%add3A_4] : memref<2048xi32, #tpu.memory_space<hbm>> -> memref<64xi32, #tpu.memory_space<hbm>>
      %dma_start3A_22 = tpu.memref_slice %arg7[%add3A_4] : memref<2048xi32, #tpu.memory_space<hbm>> -> memref<64xi32, #tpu.memory_space<hbm>>
      tpu.enqueue_dma source(%dma_start3A_22 : memref<64xi32, #tpu.memory_space<hbm>>) target(%arg13 : memref<64xi32, #tpu.memory_space<vmem>>) target_semaphore(%run_scoped3A : memref<!tpu.dma_semaphore, #tpu.memory_space<semaphore_mem>>)
      %dma_wait3A_23 = tpu.memref_slice %arg7[%add3A_4] : memref<2048xi32, #tpu.memory_space<hbm>> -> memref<64xi32, #tpu.memory_space<hbm>>
      %dma_wait3A_24 = tpu.memref_slice %arg7[%add3A_4] : memref<2048xi32, #tpu.memory_space<hbm>> -> memref<64xi32, #tpu.memory_space<hbm>>
      tpu.wait_dma2 semaphore(%run_scoped3A : memref<!tpu.dma_semaphore, #tpu.memory_space<semaphore_mem>>) src(%dma_wait3A_24 : memref<64xi32, #tpu.memory_space<hbm>>) dst(%arg13 : memref<64xi32, #tpu.memory_space<vmem>>)
      tpu.yield
    }) : () -> ()
    %dma_start3A = arith.constant 0 : i32
    %dma_start3A_5 = arith.constant 0 : i32
    %dma_start3A_6 = tpu.memref_slice %arg2[%dma_start3A, %dma_start3A_5] : memref<20000x1024xf32, #tpu.memory_space<hbm>> -> memref<20000x1024xf32, #tpu.memory_space<hbm>>
    tpu.enqueue_indirect_dma source(%dma_start3A_6 : memref<20000x1024xf32, #tpu.memory_space<hbm>>) target(%arg14 : memref<64x1024xf32, #tpu.memory_space<vmem>>) offsets(%arg11 : memref<64xi32, #tpu.memory_space<vmem>>) semaphore(%arg17 : memref<!tpu.dma_semaphore, #tpu.memory_space<semaphore_mem>>)
    %dma_start3A_7 = arith.constant 0 : i32
    %dma_start3A_8 = arith.constant 0 : i32
    %dma_start3A_9 = tpu.memref_slice %arg3[%dma_start3A_7, %dma_start3A_8] : memref<40000x256xf32, #tpu.memory_space<hbm>> -> memref<40000x256xf32, #tpu.memory_space<hbm>>
    tpu.enqueue_indirect_dma source(%dma_start3A_9 : memref<40000x256xf32, #tpu.memory_space<hbm>>) target(%arg15 : memref<64x256xf32, #tpu.memory_space<vmem>>) offsets(%arg12 : memref<64xi32, #tpu.memory_space<vmem>>) semaphore(%arg18 : memref<!tpu.dma_semaphore, #tpu.memory_space<semaphore_mem>>)
    %dma_start3A_10 = arith.constant 0 : i32
    %dma_start3A_11 = arith.constant 0 : i32
    %dma_start3A_12 = tpu.memref_slice %arg4[%dma_start3A_10, %dma_start3A_11] : memref<20000x128xf32, #tpu.memory_space<hbm>> -> memref<20000x128xf32, #tpu.memory_space<hbm>>
    tpu.enqueue_indirect_dma source(%dma_start3A_12 : memref<20000x128xf32, #tpu.memory_space<hbm>>) target(%arg16 : memref<64x128xf32, #tpu.memory_space<vmem>>) offsets(%arg13 : memref<64xi32, #tpu.memory_space<vmem>>) semaphore(%arg19 : memref<!tpu.dma_semaphore, #tpu.memory_space<semaphore_mem>>)
    %dma_wait3A = arith.constant 0 : i32
    %dma_wait3A_13 = arith.constant 0 : i32
    %dma_wait3A_14 = tpu.memref_slice %arg2[%dma_wait3A, %dma_wait3A_13] : memref<20000x1024xf32, #tpu.memory_space<hbm>> -> memref<20000x1024xf32, #tpu.memory_space<hbm>>
    tpu.wait_indirect_dma semaphore(%arg17 : memref<!tpu.dma_semaphore, #tpu.memory_space<semaphore_mem>>) src(%dma_wait3A_14 : memref<20000x1024xf32, #tpu.memory_space<hbm>>) dst(%arg14 : memref<64x1024xf32, #tpu.memory_space<vmem>>)
    %dma_wait3A_15 = arith.constant 0 : i32
    %dma_wait3A_16 = arith.constant 0 : i32
    %dma_wait3A_17 = tpu.memref_slice %arg3[%dma_wait3A_15, %dma_wait3A_16] : memref<40000x256xf32, #tpu.memory_space<hbm>> -> memref<40000x256xf32, #tpu.memory_space<hbm>>
    tpu.wait_indirect_dma semaphore(%arg18 : memref<!tpu.dma_semaphore, #tpu.memory_space<semaphore_mem>>) src(%dma_wait3A_17 : memref<40000x256xf32, #tpu.memory_space<hbm>>) dst(%arg15 : memref<64x256xf32, #tpu.memory_space<vmem>>)
    %dma_wait3A_18 = arith.constant 0 : i32
    %dma_wait3A_19 = arith.constant 0 : i32
    %dma_wait3A_20 = tpu.memref_slice %arg4[%dma_wait3A_18, %dma_wait3A_19] : memref<20000x128xf32, #tpu.memory_space<hbm>> -> memref<20000x128xf32, #tpu.memory_space<hbm>>
    tpu.wait_indirect_dma semaphore(%arg19 : memref<!tpu.dma_semaphore, #tpu.memory_space<semaphore_mem>>) src(%dma_wait3A_20 : memref<20000x128xf32, #tpu.memory_space<hbm>>) dst(%arg16 : memref<64x128xf32, #tpu.memory_space<vmem>>)
    "tpu.region"() ({
      %run_scoped3A = tpu.sem_alloc : memref<!tpu.dma_semaphore, #tpu.memory_space<semaphore_mem>>
      %dma_start3A_21 = arith.constant 0 : i32
      %dma_start3A_22 = tpu.memref_slice %arg8[%add3A_4, %dma_start3A_21] : memref<2048x1024xf32, #tpu.memory_space<hbm>> -> memref<64x1024xf32, #tpu.memory_space<hbm>>
      %dma_start3A_23 = arith.constant 0 : i32
      %dma_start3A_24 = tpu.memref_slice %arg8[%add3A_4, %dma_start3A_23] : memref<2048x1024xf32, #tpu.memory_space<hbm>> -> memref<64x1024xf32, #tpu.memory_space<hbm>>
      tpu.enqueue_dma source(%arg14 : memref<64x1024xf32, #tpu.memory_space<vmem>>) target(%dma_start3A_24 : memref<64x1024xf32, #tpu.memory_space<hbm>>) target_semaphore(%run_scoped3A : memref<!tpu.dma_semaphore, #tpu.memory_space<semaphore_mem>>)
      %dma_wait3A_25 = arith.constant 0 : i32
      %dma_wait3A_26 = tpu.memref_slice %arg8[%add3A_4, %dma_wait3A_25] : memref<2048x1024xf32, #tpu.memory_space<hbm>> -> memref<64x1024xf32, #tpu.memory_space<hbm>>
      %dma_wait3A_27 = arith.constant 0 : i32
      %dma_wait3A_28 = tpu.memref_slice %arg8[%add3A_4, %dma_wait3A_27] : memref<2048x1024xf32, #tpu.memory_space<hbm>> -> memref<64x1024xf32, #tpu.memory_space<hbm>>
      tpu.wait_dma2 semaphore(%run_scoped3A : memref<!tpu.dma_semaphore, #tpu.memory_space<semaphore_mem>>) src(%arg14 : memref<64x1024xf32, #tpu.memory_space<vmem>>) dst(%dma_wait3A_28 : memref<64x1024xf32, #tpu.memory_space<hbm>>)
      tpu.yield
    }) : () -> ()
    "tpu.region"() ({
      %run_scoped3A = tpu.sem_alloc : memref<!tpu.dma_semaphore, #tpu.memory_space<semaphore_mem>>
      %dma_start3A_21 = arith.constant 0 : i32
      %dma_start3A_22 = tpu.memref_slice %arg9[%add3A_4, %dma_start3A_21] : memref<2048x256xf32, #tpu.memory_space<hbm>> -> memref<64x256xf32, #tpu.memory_space<hbm>>
      %dma_start3A_23 = arith.constant 0 : i32
      %dma_start3A_24 = tpu.memref_slice %arg9[%add3A_4, %dma_start3A_23] : memref<2048x256xf32, #tpu.memory_space<hbm>> -> memref<64x256xf32, #tpu.memory_space<hbm>>
      tpu.enqueue_dma source(%arg15 : memref<64x256xf32, #tpu.memory_space<vmem>>) target(%dma_start3A_24 : memref<64x256xf32, #tpu.memory_space<hbm>>) target_semaphore(%run_scoped3A : memref<!tpu.dma_semaphore, #tpu.memory_space<semaphore_mem>>)
      %dma_wait3A_25 = arith.constant 0 : i32
      %dma_wait3A_26 = tpu.memref_slice %arg9[%add3A_4, %dma_wait3A_25] : memref<2048x256xf32, #tpu.memory_space<hbm>> -> memref<64x256xf32, #tpu.memory_space<hbm>>
      %dma_wait3A_27 = arith.constant 0 : i32
      %dma_wait3A_28 = tpu.memref_slice %arg9[%add3A_4, %dma_wait3A_27] : memref<2048x256xf32, #tpu.memory_space<hbm>> -> memref<64x256xf32, #tpu.memory_space<hbm>>
      tpu.wait_dma2 semaphore(%run_scoped3A : memref<!tpu.dma_semaphore, #tpu.memory_space<semaphore_mem>>) src(%arg15 : memref<64x256xf32, #tpu.memory_space<vmem>>) dst(%dma_wait3A_28 : memref<64x256xf32, #tpu.memory_space<hbm>>)
      tpu.yield
    }) : () -> ()
    "tpu.region"() ({
      %run_scoped3A = tpu.sem_alloc : memref<!tpu.dma_semaphore, #tpu.memory_space<semaphore_mem>>
      %dma_start3A_21 = arith.constant 0 : i32
      %dma_start3A_22 = tpu.memref_slice %arg10[%add3A_4, %dma_start3A_21] : memref<2048x128xf32, #tpu.memory_space<hbm>> -> memref<64x128xf32, #tpu.memory_space<hbm>>
      %dma_start3A_23 = arith.constant 0 : i32
      %dma_start3A_24 = tpu.memref_slice %arg10[%add3A_4, %dma_start3A_23] : memref<2048x128xf32, #tpu.memory_space<hbm>> -> memref<64x128xf32, #tpu.memory_space<hbm>>
      tpu.enqueue_dma source(%arg16 : memref<64x128xf32, #tpu.memory_space<vmem>>) target(%dma_start3A_24 : memref<64x128xf32, #tpu.memory_space<hbm>>) target_semaphore(%run_scoped3A : memref<!tpu.dma_semaphore, #tpu.memory_space<semaphore_mem>>)
      %dma_wait3A_25 = arith.constant 0 : i32
      %dma_wait3A_26 = tpu.memref_slice %arg10[%add3A_4, %dma_wait3A_25] : memref<2048x128xf32, #tpu.memory_space<hbm>> -> memref<64x128xf32, #tpu.memory_space<hbm>>
      %dma_wait3A_27 = arith.constant 0 : i32
      %dma_wait3A_28 = tpu.memref_slice %arg10[%add3A_4, %dma_wait3A_27] : memref<2048x128xf32, #tpu.memory_space<hbm>> -> memref<64x128xf32, #tpu.memory_space<hbm>>
      tpu.wait_dma2 semaphore(%run_scoped3A : memref<!tpu.dma_semaphore, #tpu.memory_space<semaphore_mem>>) src(%arg16 : memref<64x128xf32, #tpu.memory_space<vmem>>) dst(%dma_wait3A_28 : memref<64x128xf32, #tpu.memory_space<hbm>>)
      tpu.yield
    }) : () -> ()
    return
  }
}

module attributes {stable_mosaic.version = 14 : i64} {
  func.func @_route_body(%arg0: memref<1x2048xi32, #tpu.memory_space<vmem>>, %arg1: memref<2048x1024xbf16, #tpu.memory_space<vmem>>, %arg2: memref<1024x256xbf16, #tpu.memory_space<vmem>>, %arg3: memref<1024x64xbf16, #tpu.memory_space<vmem>>, %arg4: memref<1x2048xi32, #tpu.memory_space<vmem>>, %arg5: memref<1x8xi32, #tpu.memory_space<vmem>>, %arg6: memref<2048x256xbf16, #tpu.memory_space<vmem>>, %arg7: memref<2048x64xbf16, #tpu.memory_space<vmem>>, %arg8: memref<2048x256xbf16, #tpu.memory_space<vmem>>, %arg9: memref<2048x64xbf16, #tpu.memory_space<vmem>>) attributes {dimension_semantics = [], scalar_prefetch = 0 : i64, scratch_operands = 0 : i64, tpu.core_type = #tpu.core_type<tc>} {
    %get3A = arith.constant 0 : index
    %get3A_0 = arith.constant 0 : index
    %get3A_1 = vector.load %arg0[%get3A, %get3A_0] : memref<1x2048xi32, #tpu.memory_space<vmem>>, vector<1x2048xi32>
    %ge3A = arith.constant 20000 : i32
    %ge3A_2 = vector.broadcast %ge3A : i32 to vector<1x2048xi32>
    %ge3A_3 = arith.cmpi sge, %get3A_1, %ge3A_2 : vector<1x2048xi32>
    %convert_element_type3A = arith.extui %ge3A_3 : vector<1x2048xi1> to vector<1x2048xi32>
    %ge3A_4 = arith.constant 60000 : i32
    %ge3A_5 = vector.broadcast %ge3A_4 : i32 to vector<1x2048xi32>
    %ge3A_6 = arith.cmpi sge, %get3A_1, %ge3A_5 : vector<1x2048xi32>
    %convert_element_type3A_7 = arith.extui %ge3A_6 : vector<1x2048xi1> to vector<1x2048xi32>
    %add3A = arith.addi %convert_element_type3A, %convert_element_type3A_7 : vector<1x2048xi32>
    %iota3A = tpu.iota {dimensions = array<i32: 0>} : vector<8x2048xi32>
    %eq3A = vector.broadcast %add3A : vector<1x2048xi32> to vector<8x2048xi32>
    %eq3A_8 = arith.cmpi eq, %iota3A, %eq3A : vector<8x2048xi32>
    %convert_element_type3A_9 = arith.extui %eq3A_8 : vector<8x2048xi1> to vector<8x2048xi32>
    %convert_element_type3A_10 = arith.sitofp %convert_element_type3A_9 : vector<8x2048xi32> to vector<8x2048xf32>
    %convert_element_type3A_11 = arith.truncf %convert_element_type3A_10 : vector<8x2048xf32> to vector<8x2048xbf16>
    %iota3A_12 = tpu.iota {dimensions = array<i32: 0>} : vector<2048x2048xi32>
    %iota3A_13 = tpu.iota {dimensions = array<i32: 1>} : vector<2048x2048xi32>
    %le3A = arith.cmpi sle, %iota3A_12, %iota3A_13 : vector<2048x2048xi32>
    %convert_element_type3A_14 = arith.extui %le3A : vector<2048x2048xi1> to vector<2048x2048xi32>
    %convert_element_type3A_15 = arith.sitofp %convert_element_type3A_14 : vector<2048x2048xi32> to vector<2048x2048xf32>
    %convert_element_type3A_16 = arith.truncf %convert_element_type3A_15 : vector<2048x2048xf32> to vector<2048x2048xbf16>
    %dot_general3A = arith.constant dense<0.000000e+00> : vector<8x2048xf32>
    %dot_general3A_17 = tpu.matmul %convert_element_type3A_11, %convert_element_type3A_16, %dot_general3A {dimension_numbers = #tpu.dot_dimension_numbers<[1], [0], [0], [1], [0, 0, 1, 1], [], []>, transpose_lhs_hint = false} : vector<8x2048xbf16>, vector<2048x2048xbf16>, vector<8x2048xf32> -> vector<8x2048xf32>
    %slice3A = vector.extract_strided_slice %dot_general3A_17 {offsets = [0, 2047], sizes = [1, 1], strides = [1, 1]} : vector<8x2048xf32> to vector<1x1xf32>
    %slice3A_18 = vector.extract_strided_slice %dot_general3A_17 {offsets = [1, 2047], sizes = [1, 1], strides = [1, 1]} : vector<8x2048xf32> to vector<1x1xf32>
    %slice3A_19 = vector.extract_strided_slice %dot_general3A_17 {offsets = [2, 2047], sizes = [1, 1], strides = [1, 1]} : vector<8x2048xf32> to vector<1x1xf32>
    %broadcast_in_dim3A = arith.constant 0.000000e+00 : f32
    %broadcast_in_dim3A_20 = vector.broadcast %broadcast_in_dim3A : f32 to vector<1x5xf32>
    %concatenate3A = tpu.concatenate %slice3A, %slice3A_18, %slice3A_19, %broadcast_in_dim3A_20 in 1 : vector<1x1xf32>, vector<1x1xf32>, vector<1x1xf32>, vector<1x5xf32> -> vector<1x8xf32>
    %convert_element_type3A_21 = arith.fptosi %concatenate3A : vector<1x8xf32> to vector<1x8xi32>
    %swap3A = arith.constant 0 : index
    %swap3A_22 = arith.constant 0 : index
    %swap3A_23 = vector.load %arg5[%swap3A, %swap3A_22] : memref<1x8xi32, #tpu.memory_space<vmem>>, vector<1x8xi32>
    tpu.vector_store %arg5[%swap3A, %swap3A_22], %convert_element_type3A_21 {strides = array<i32>} : memref<1x8xi32, #tpu.memory_space<vmem>>, vector<1x8xi32>,
    %slice3A_24 = vector.extract_strided_slice %convert_element_type3A_11 {offsets = [0, 0], sizes = [1, 2048], strides = [1, 1]} : vector<8x2048xbf16> to vector<1x2048xbf16>
    %convert_element_type3A_25 = arith.extf %slice3A_24 : vector<1x2048xbf16> to vector<1x2048xf32>
    %slice3A_26 = vector.extract_strided_slice %convert_element_type3A_11 {offsets = [1, 0], sizes = [1, 2048], strides = [1, 1]} : vector<8x2048xbf16> to vector<1x2048xbf16>
    %convert_element_type3A_27 = arith.extf %slice3A_26 : vector<1x2048xbf16> to vector<1x2048xf32>
    %slice3A_28 = vector.extract_strided_slice %convert_element_type3A_11 {offsets = [2, 0], sizes = [1, 2048], strides = [1, 1]} : vector<8x2048xbf16> to vector<1x2048xbf16>
    %convert_element_type3A_29 = arith.extf %slice3A_28 : vector<1x2048xbf16> to vector<1x2048xf32>
    %slice3A_30 = vector.extract_strided_slice %dot_general3A_17 {offsets = [0, 0], sizes = [1, 2048], strides = [1, 1]} : vector<8x2048xf32> to vector<1x2048xf32>
    %mul3A = arith.mulf %convert_element_type3A_25, %slice3A_30 : vector<1x2048xf32>
    %slice3A_31 = vector.extract_strided_slice %dot_general3A_17 {offsets = [1, 0], sizes = [1, 2048], strides = [1, 1]} : vector<8x2048xf32> to vector<1x2048xf32>
    %mul3A_32 = arith.mulf %convert_element_type3A_27, %slice3A_31 : vector<1x2048xf32>
    %add3A_33 = arith.addf %mul3A, %mul3A_32 : vector<1x2048xf32>
    %slice3A_34 = vector.extract_strided_slice %dot_general3A_17 {offsets = [2, 0], sizes = [1, 2048], strides = [1, 1]} : vector<8x2048xf32> to vector<1x2048xf32>
    %mul3A_35 = arith.mulf %convert_element_type3A_29, %slice3A_34 : vector<1x2048xf32>
    %add3A_36 = arith.addf %add3A_33, %mul3A_35 : vector<1x2048xf32>
    %mul3A_37 = vector.broadcast %slice3A : vector<1x1xf32> to vector<1x2048xf32>
    %mul3A_38 = arith.mulf %convert_element_type3A_27, %mul3A_37 : vector<1x2048xf32>
    %add3A_39 = arith.addf %slice3A, %slice3A_18 : vector<1x1xf32>
    %mul3A_40 = vector.broadcast %add3A_39 : vector<1x1xf32> to vector<1x2048xf32>
    %mul3A_41 = arith.mulf %convert_element_type3A_29, %mul3A_40 : vector<1x2048xf32>
    %add3A_42 = arith.addf %mul3A_38, %mul3A_41 : vector<1x2048xf32>
    %add3A_43 = arith.addf %add3A_36, %add3A_42 : vector<1x2048xf32>
    %sub3A = arith.constant 1.000000e+00 : f32
    %sub3A_44 = vector.broadcast %sub3A : f32 to vector<1x2048xf32>
    %sub3A_45 = arith.subf %add3A_43, %sub3A_44 : vector<1x2048xf32>
    %convert_element_type3A_46 = arith.fptosi %sub3A_45 : vector<1x2048xf32> to vector<1x2048xi32>
    %swap3A_47 = arith.constant 0 : index
    %swap3A_48 = arith.constant 0 : index
    %swap3A_49 = vector.load %arg4[%swap3A_47, %swap3A_48] : memref<1x2048xi32, #tpu.memory_space<vmem>>, vector<1x2048xi32>
    tpu.vector_store %arg4[%swap3A_47, %swap3A_48], %convert_element_type3A_46 {strides = array<i32>} : memref<1x2048xi32, #tpu.memory_space<vmem>>, vector<1x2048xi32>,
    %iota3A_50 = tpu.iota {dimensions = array<i32: 0>} : vector<2048x2048xi32>
    %eq3A_51 = vector.broadcast %convert_element_type3A_46 : vector<1x2048xi32> to vector<2048x2048xi32>
    %eq3A_52 = arith.cmpi eq, %iota3A_50, %eq3A_51 : vector<2048x2048xi32>
    %convert_element_type3A_53 = arith.extui %eq3A_52 : vector<2048x2048xi1> to vector<2048x2048xi32>
    %convert_element_type3A_54 = arith.sitofp %convert_element_type3A_53 : vector<2048x2048xi32> to vector<2048x2048xf32>
    %convert_element_type3A_55 = arith.truncf %convert_element_type3A_54 : vector<2048x2048xf32> to vector<2048x2048xbf16>
    %get3A_56 = arith.constant 0 : index
    %get3A_57 = arith.constant 0 : index
    %get3A_58 = vector.load %arg1[%get3A_56, %get3A_57] : memref<2048x1024xbf16, #tpu.memory_space<vmem>>, vector<2048x1024xbf16>
    %get3A_59 = arith.constant 0 : index
    %get3A_60 = arith.constant 0 : index
    %get3A_61 = vector.load %arg2[%get3A_59, %get3A_60] : memref<1024x256xbf16, #tpu.memory_space<vmem>>, vector<1024x256xbf16>
    %dot_general3A_62 = arith.constant dense<0.000000e+00> : vector<2048x256xf32>
    %dot_general3A_63 = tpu.matmul %get3A_58, %get3A_61, %dot_general3A_62 {dimension_numbers = #tpu.dot_dimension_numbers<[1], [0], [0], [1], [0, 0, 1, 1], [], []>, transpose_lhs_hint = false} : vector<2048x1024xbf16>, vector<1024x256xbf16>, vector<2048x256xf32> -> vector<2048x256xf32>
    %convert_element_type3A_64 = arith.truncf %dot_general3A_63 : vector<2048x256xf32> to vector<2048x256xbf16>
    %get3A_65 = arith.constant 0 : index
    %get3A_66 = arith.constant 0 : index
    %get3A_67 = vector.load %arg1[%get3A_65, %get3A_66] : memref<2048x1024xbf16, #tpu.memory_space<vmem>>, vector<2048x1024xbf16>
    %get3A_68 = arith.constant 0 : index
    %get3A_69 = arith.constant 0 : index
    %get3A_70 = vector.load %arg3[%get3A_68, %get3A_69] : memref<1024x64xbf16, #tpu.memory_space<vmem>>, vector<1024x64xbf16>
    %dot_general3A_71 = arith.constant dense<0.000000e+00> : vector<2048x64xf32>
    %dot_general3A_72 = tpu.matmul %get3A_67, %get3A_70, %dot_general3A_71 {dimension_numbers = #tpu.dot_dimension_numbers<[1], [0], [0], [1], [0, 0, 1, 1], [], []>, transpose_lhs_hint = false} : vector<2048x1024xbf16>, vector<1024x64xbf16>, vector<2048x64xf32> -> vector<2048x64xf32>
    %convert_element_type3A_73 = arith.truncf %dot_general3A_72 : vector<2048x64xf32> to vector<2048x64xbf16>
    %swap3A_74 = arith.constant 0 : index
    %swap3A_75 = arith.constant 0 : index
    %swap3A_76 = vector.load %arg6[%swap3A_74, %swap3A_75] : memref<2048x256xbf16, #tpu.memory_space<vmem>>, vector<2048x256xbf16>
    tpu.vector_store %arg6[%swap3A_74, %swap3A_75], %convert_element_type3A_64 {strides = array<i32>} : memref<2048x256xbf16, #tpu.memory_space<vmem>>, vector<2048x256xbf16>,
    %swap3A_77 = arith.constant 0 : index
    %swap3A_78 = arith.constant 0 : index
    %swap3A_79 = vector.load %arg7[%swap3A_77, %swap3A_78] : memref<2048x64xbf16, #tpu.memory_space<vmem>>, vector<2048x64xbf16>
    tpu.vector_store %arg7[%swap3A_77, %swap3A_78], %convert_element_type3A_73 {strides = array<i32>} : memref<2048x64xbf16, #tpu.memory_space<vmem>>, vector<2048x64xbf16>,
    %dot_general3A_80 = arith.constant dense<0.000000e+00> : vector<2048x256xf32>
    %dot_general3A_81 = tpu.matmul %convert_element_type3A_55, %convert_element_type3A_64, %dot_general3A_80 {dimension_numbers = #tpu.dot_dimension_numbers<[1], [0], [0], [1], [0, 0, 1, 1], [], []>, transpose_lhs_hint = false} : vector<2048x2048xbf16>, vector<2048x256xbf16>, vector<2048x256xf32> -> vector<2048x256xf32>
    %convert_element_type3A_82 = arith.truncf %dot_general3A_81 : vector<2048x256xf32> to vector<2048x256xbf16>
    %swap3A_83 = arith.constant 0 : index
    %swap3A_84 = arith.constant 0 : index
    %swap3A_85 = vector.load %arg8[%swap3A_83, %swap3A_84] : memref<2048x256xbf16, #tpu.memory_space<vmem>>, vector<2048x256xbf16>
    tpu.vector_store %arg8[%swap3A_83, %swap3A_84], %convert_element_type3A_82 {strides = array<i32>} : memref<2048x256xbf16, #tpu.memory_space<vmem>>, vector<2048x256xbf16>,
    %dot_general3A_86 = arith.constant dense<0.000000e+00> : vector<2048x64xf32>
    %dot_general3A_87 = tpu.matmul %convert_element_type3A_55, %convert_element_type3A_73, %dot_general3A_86 {dimension_numbers = #tpu.dot_dimension_numbers<[1], [0], [0], [1], [0, 0, 1, 1], [], []>, transpose_lhs_hint = false} : vector<2048x2048xbf16>, vector<2048x64xbf16>, vector<2048x64xf32> -> vector<2048x64xf32>
    %convert_element_type3A_88 = arith.truncf %dot_general3A_87 : vector<2048x64xf32> to vector<2048x64xbf16>
    %swap3A_89 = arith.constant 0 : index
    %swap3A_90 = arith.constant 0 : index
    %swap3A_91 = vector.load %arg9[%swap3A_89, %swap3A_90] : memref<2048x64xbf16, #tpu.memory_space<vmem>>, vector<2048x64xbf16>
    tpu.vector_store %arg9[%swap3A_89, %swap3A_90], %convert_element_type3A_88 {strides = array<i32>} : memref<2048x64xbf16, #tpu.memory_space<vmem>>, vector<2048x64xbf16>,
    return
  }
}

module attributes {stable_mosaic.version = 14 : i64} {
  func.func @_head_body(%arg0: i32, %arg1: memref<2048x1024xbf16, #tpu.memory_space<vmem>>, %arg2: memref<1024x1024xbf16, #tpu.memory_space<vmem>>, %arg3: memref<1024x1024xbf16, #tpu.memory_space<vmem>>, %arg4: memref<1x1024xf32, #tpu.memory_space<vmem>>, %arg5: memref<2048x1xf32, #tpu.memory_space<vmem>>, %arg6: memref<2048x1xf32, #tpu.memory_space<vmem>>, %arg7: memref<2048x1xf32, #tpu.memory_space<vmem>>, %arg8: memref<2048x1024xbf16, #tpu.memory_space<vmem>>, %arg9: memref<2048x1024xbf16, #tpu.memory_space<vmem>>) attributes {dimension_semantics = [#tpu.dimension_semantics<arbitrary>], iteration_bounds = array<i64: 20>, scalar_prefetch = 0 : i64, scratch_operands = 1 : i64, tpu.core_type = #tpu.core_type<tc>, window_params = [{pipeline_mode = #tpu.pipeline_mode<synchronous>, transform_indices = @transform_0, window_bounds = array<i64: 2048, 1024>}, {pipeline_mode = #tpu.pipeline_mode<synchronous>, transform_indices = @transform_1, window_bounds = array<i64: 1024, 1024>}, {transform_indices = @transform_2, window_bounds = array<i64: 1024, 1024>}, {transform_indices = @transform_3, window_bounds = array<i64: 1, 1024>}, {pipeline_mode = #tpu.pipeline_mode<synchronous>, transform_indices = @transform_4, window_bounds = array<i64: 2048, 1>}, {pipeline_mode = #tpu.pipeline_mode<synchronous>, transform_indices = @transform_5, window_bounds = array<i64: 2048, 1>}, {pipeline_mode = #tpu.pipeline_mode<synchronous>, transform_indices = @transform_6, window_bounds = array<i64: 2048, 1>}, {pipeline_mode = #tpu.pipeline_mode<synchronous>, transform_indices = @transform_7, window_bounds = array<i64: 2048, 1024>}]} {
    %eq3A = arith.constant 0 : i32
    %eq3A_0 = arith.cmpi eq, %arg0, %eq3A : i32
    %convert_element_type3A = arith.extui %eq3A_0 : i1 to i32
    %cond3A = arith.constant 0 : i32
    %cond3A_1 = arith.cmpi ne, %convert_element_type3A, %cond3A : i32
    scf.if %cond3A_1 {
      %get3A_24 = arith.constant 0 : index
      %get3A_25 = arith.constant 0 : index
      %get3A_26 = vector.load %arg1[%get3A_24, %get3A_25] : memref<2048x1024xbf16, #tpu.memory_space<vmem>>, vector<2048x1024xbf16>
      %get3A_27 = arith.constant 0 : index
      %get3A_28 = arith.constant 0 : index
      %get3A_29 = vector.load %arg2[%get3A_27, %get3A_28] : memref<1024x1024xbf16, #tpu.memory_space<vmem>>, vector<1024x1024xbf16>
      %dot_general3A_30 = arith.constant dense<0.000000e+00> : vector<2048x1024xf32>
      %dot_general3A_31 = tpu.matmul %get3A_26, %get3A_29, %dot_general3A_30 {dimension_numbers = #tpu.dot_dimension_numbers<[1], [0], [0], [1], [0, 0, 1, 1], [], []>, transpose_lhs_hint = false} : vector<2048x1024xbf16>, vector<1024x1024xbf16>, vector<2048x1024xf32> -> vector<2048x1024xf32>
      %convert_element_type3A_32 = arith.truncf %dot_general3A_31 : vector<2048x1024xf32> to vector<2048x1024xbf16>
      %swap3A_33 = arith.constant 0 : index
      %swap3A_34 = arith.constant 0 : index
      %swap3A_35 = vector.load %arg9[%swap3A_33, %swap3A_34] : memref<2048x1024xbf16, #tpu.memory_space<vmem>>, vector<2048x1024xbf16>
      tpu.vector_store %arg9[%swap3A_33, %swap3A_34], %convert_element_type3A_32 {strides = array<i32>} : memref<2048x1024xbf16, #tpu.memory_space<vmem>>, vector<2048x1024xbf16>,
      %swap3A_36 = arith.constant 0 : index
      %swap3A_37 = arith.constant 0 : index
      %swap3A_38 = vector.load %arg8[%swap3A_36, %swap3A_37] : memref<2048x1024xbf16, #tpu.memory_space<vmem>>, vector<2048x1024xbf16>
      tpu.vector_store %arg8[%swap3A_36, %swap3A_37], %convert_element_type3A_32 {strides = array<i32>} : memref<2048x1024xbf16, #tpu.memory_space<vmem>>, vector<2048x1024xbf16>,
      %broadcast_in_dim3A_39 = arith.constant 0.000000e+00 : f32
      %broadcast_in_dim3A_40 = vector.broadcast %broadcast_in_dim3A_39 : f32 to vector<2048x1xf32>
      %swap3A_41 = arith.constant 0 : index
      %swap3A_42 = arith.constant 0 : index
      %swap3A_43 = vector.load %arg5[%swap3A_41, %swap3A_42] : memref<2048x1xf32, #tpu.memory_space<vmem>>, vector<2048x1xf32>
      tpu.vector_store %arg5[%swap3A_41, %swap3A_42], %broadcast_in_dim3A_40 {strides = array<i32>} : memref<2048x1xf32, #tpu.memory_space<vmem>>, vector<2048x1xf32>,
      %broadcast_in_dim3A_44 = arith.constant 0.000000e+00 : f32
      %broadcast_in_dim3A_45 = vector.broadcast %broadcast_in_dim3A_44 : f32 to vector<2048x1xf32>
      %swap3A_46 = arith.constant 0 : index
      %swap3A_47 = arith.constant 0 : index
      %swap3A_48 = vector.load %arg6[%swap3A_46, %swap3A_47] : memref<2048x1xf32, #tpu.memory_space<vmem>>, vector<2048x1xf32>
      tpu.vector_store %arg6[%swap3A_46, %swap3A_47], %broadcast_in_dim3A_45 {strides = array<i32>} : memref<2048x1xf32, #tpu.memory_space<vmem>>, vector<2048x1xf32>,
      %broadcast_in_dim3A_49 = arith.constant 0.000000e+00 : f32
      %broadcast_in_dim3A_50 = vector.broadcast %broadcast_in_dim3A_49 : f32 to vector<2048x1xf32>
      %swap3A_51 = arith.constant 0 : index
      %swap3A_52 = arith.constant 0 : index
      %swap3A_53 = vector.load %arg7[%swap3A_51, %swap3A_52] : memref<2048x1xf32, #tpu.memory_space<vmem>>, vector<2048x1xf32>
      tpu.vector_store %arg7[%swap3A_51, %swap3A_52], %broadcast_in_dim3A_50 {strides = array<i32>} : memref<2048x1xf32, #tpu.memory_space<vmem>>, vector<2048x1xf32>,
    } else {
    }
    %get3A = arith.constant 0 : index
    %get3A_2 = arith.constant 0 : index
    %get3A_3 = vector.load %arg9[%get3A, %get3A_2] : memref<2048x1024xbf16, #tpu.memory_space<vmem>>, vector<2048x1024xbf16>
    %get3A_4 = arith.constant 0 : index
    %get3A_5 = arith.constant 0 : index
    %get3A_6 = vector.load %arg3[%get3A_4, %get3A_5] : memref<1024x1024xbf16, #tpu.memory_space<vmem>>, vector<1024x1024xbf16>
    %dot_general3A = arith.constant dense<0.000000e+00> : vector<2048x1024xf32>
    %dot_general3A_7 = tpu.matmul %get3A_3, %get3A_6, %dot_general3A {dimension_numbers = #tpu.dot_dimension_numbers<[1], [1], [0], [0], [0, 0, 1, 0], [], []>, transpose_lhs_hint = false} : vector<2048x1024xbf16>, vector<1024x1024xbf16>, vector<2048x1024xf32> -> vector<2048x1024xf32>
    %get3A_8 = arith.constant 0 : index
    %get3A_9 = arith.constant 0 : index
    %get3A_10 = vector.load %arg4[%get3A_8, %get3A_9] : memref<1x1024xf32, #tpu.memory_space<vmem>>, vector<1x1024xf32>
    %add3A = vector.broadcast %get3A_10 : vector<1x1024xf32> to vector<2048x1024xf32>
    %add3A_11 = arith.addf %dot_general3A_7, %add3A : vector<2048x1024xf32>
    %get3A_12 = arith.constant 0 : index
    %get3A_13 = arith.constant 0 : index
    %get3A_14 = vector.load %arg5[%get3A_12, %get3A_13] : memref<2048x1xf32, #tpu.memory_space<vmem>>, vector<2048x1xf32>
    %exp3A = math.exp %add3A_11 : vector<2048x1024xf32>
    %reduce_sum3A = arith.constant dense<0.000000e+00> : vector<2048xf32>
    %reduce_sum3A_15 = vector.multi_reduction <add>, %exp3A, %reduce_sum3A [1] : vector<2048x1024xf32> to vector<2048xf32>
    %broadcast_in_dim3A = vector.shape_cast %reduce_sum3A_15 : vector<2048xf32> to vector<2048x1xf32>
    %add3A_16 = arith.addf %get3A_14, %broadcast_in_dim3A : vector<2048x1xf32>
    %swap3A = arith.constant 0 : index
    %swap3A_17 = arith.constant 0 : index
    %swap3A_18 = vector.load %arg5[%swap3A, %swap3A_17] : memref<2048x1xf32, #tpu.memory_space<vmem>>, vector<2048x1xf32>
    tpu.vector_store %arg5[%swap3A, %swap3A_17], %add3A_16 {strides = array<i32>} : memref<2048x1xf32, #tpu.memory_space<vmem>>, vector<2048x1xf32>,
    %eq3A_19 = arith.constant 19 : i32
    %eq3A_20 = arith.cmpi eq, %arg0, %eq3A_19 : i32
    %convert_element_type3A_21 = arith.extui %eq3A_20 : i1 to i32
    %cond3A_22 = arith.constant 0 : i32
    %cond3A_23 = arith.cmpi ne, %convert_element_type3A_21, %cond3A_22 : i32
    scf.if %cond3A_23 {
      %slice3A = vector.extract_strided_slice %add3A_11 {offsets = [0, 544], sizes = [2048, 1], strides = [1, 1]} : vector<2048x1024xf32> to vector<2048x1xf32>
      %swap3A_24 = arith.constant 0 : index
      %swap3A_25 = arith.constant 0 : index
      %swap3A_26 = vector.load %arg6[%swap3A_24, %swap3A_25] : memref<2048x1xf32, #tpu.memory_space<vmem>>, vector<2048x1xf32>
      tpu.vector_store %arg6[%swap3A_24, %swap3A_25], %slice3A {strides = array<i32>} : memref<2048x1xf32, #tpu.memory_space<vmem>>, vector<2048x1xf32>,
      %slice3A_27 = vector.extract_strided_slice %add3A_11 {offsets = [0, 545], sizes = [2048, 1], strides = [1, 1]} : vector<2048x1024xf32> to vector<2048x1xf32>
      %swap3A_28 = arith.constant 0 : index
      %swap3A_29 = arith.constant 0 : index
      %swap3A_30 = vector.load %arg7[%swap3A_28, %swap3A_29] : memref<2048x1xf32, #tpu.memory_space<vmem>>, vector<2048x1xf32>
      tpu.vector_store %arg7[%swap3A_28, %swap3A_29], %slice3A_27 {strides = array<i32>} : memref<2048x1xf32, #tpu.memory_space<vmem>>, vector<2048x1xf32>,
    } else {
    }
    return
  }
  func.func @transform_0(%arg0: i32) -> (i32, i32) {
    %c0_i32 = arith.constant 0 : i32
    %c0_i32_0 = arith.constant 0 : i32
    %c0_i32_1 = arith.constant 0 : i32
    return %c0_i32, %c0_i32_0 : i32, i32
  }
  func.func @transform_1(%arg0: i32) -> (i32, i32) {
    %c0_i32 = arith.constant 0 : i32
    %c0_i32_0 = arith.constant 0 : i32
    %c0_i32_1 = arith.constant 0 : i32
    return %c0_i32, %c0_i32_0 : i32, i32
  }
  func.func @transform_2(%arg0: i32) -> (i32, i32) {
    %c0_i32 = arith.constant 0 : i32
    %c0_i32_0 = arith.constant 0 : i32
    return %arg0, %c0_i32 : i32, i32
  }
  func.func @transform_3(%arg0: i32) -> (i32, i32) {
    %c0_i32 = arith.constant 0 : i32
    %c0_i32_0 = arith.constant 0 : i32
    return %c0_i32, %arg0 : i32, i32
  }
  func.func @transform_4(%arg0: i32) -> (i32, i32) {
    %c0_i32 = arith.constant 0 : i32
    %c0_i32_0 = arith.constant 0 : i32
    %c0_i32_1 = arith.constant 0 : i32
    return %c0_i32, %c0_i32_0 : i32, i32
  }
  func.func @transform_5(%arg0: i32) -> (i32, i32) {
    %c0_i32 = arith.constant 0 : i32
    %c0_i32_0 = arith.constant 0 : i32
    %c0_i32_1 = arith.constant 0 : i32
    return %c0_i32, %c0_i32_0 : i32, i32
  }
  func.func @transform_6(%arg0: i32) -> (i32, i32) {
    %c0_i32 = arith.constant 0 : i32
    %c0_i32_0 = arith.constant 0 : i32
    %c0_i32_1 = arith.constant 0 : i32
    return %c0_i32, %c0_i32_0 : i32, i32
  }
  func.func @transform_7(%arg0: i32) -> (i32, i32) {
    %c0_i32 = arith.constant 0 : i32
    %c0_i32_0 = arith.constant 0 : i32
    %c0_i32_1 = arith.constant 0 : i32
    return %c0_i32, %c0_i32_0 : i32, i32
  }
}

module attributes {stable_mosaic.version = 14 : i64} {
  func.func @_tail_body(%arg0: i32, %arg1: memref<1x8xi32, #tpu.memory_space<smem>>, %arg2: memref<2048x256xbf16, #tpu.memory_space<vmem>>, %arg3: memref<4096x256xbf16, #tpu.memory_space<vmem>>, %arg4: memref<1x4096xf32, #tpu.memory_space<vmem>>, %arg5: memref<2048x1xf32, #tpu.memory_space<vmem>>) attributes {dimension_semantics = [#tpu.dimension_semantics<arbitrary>], iteration_bounds = array<i64: 10>, scalar_prefetch = 0 : i64, scratch_operands = 0 : i64, tpu.core_type = #tpu.core_type<tc>, window_params = [{transform_indices = @transform_0, window_bounds = array<i64: 1, 8>}, {pipeline_mode = #tpu.pipeline_mode<synchronous>, transform_indices = @transform_1, window_bounds = array<i64: 2048, 256>}, {transform_indices = @transform_2, window_bounds = array<i64: 4096, 256>}, {transform_indices = @transform_3, window_bounds = array<i64: 1, 4096>}, {pipeline_mode = #tpu.pipeline_mode<synchronous>, transform_indices = @transform_4, window_bounds = array<i64: 2048, 1>}]} {
    %eq3A = arith.constant 0 : i32
    %eq3A_0 = arith.cmpi eq, %arg0, %eq3A : i32
    %convert_element_type3A = arith.extui %eq3A_0 : i1 to i32
    %cond3A = arith.constant 0 : i32
    %cond3A_1 = arith.cmpi ne, %convert_element_type3A, %cond3A : i32
    scf.if %cond3A_1 {
      %broadcast_in_dim3A = arith.constant 0.000000e+00 : f32
      %broadcast_in_dim3A_59 = vector.broadcast %broadcast_in_dim3A : f32 to vector<2048x1xf32>
      %swap3A = arith.constant 0 : index
      %swap3A_60 = arith.constant 0 : index
      %swap3A_61 = vector.load %arg5[%swap3A, %swap3A_60] : memref<2048x1xf32, #tpu.memory_space<vmem>>, vector<2048x1xf32>
      tpu.vector_store %arg5[%swap3A, %swap3A_60], %broadcast_in_dim3A_59 {strides = array<i32>} : memref<2048x1xf32, #tpu.memory_space<vmem>>, vector<2048x1xf32>,
    } else {
    }
    %get3A = arith.constant 0 : index
    %get3A_2 = arith.constant 0 : index
    %get3A_3 = memref.load %arg1[%get3A, %get3A_2] : memref<1x8xi32, #tpu.memory_space<smem>>
    %get3A_4 = arith.constant 0 : index
    %get3A_5 = arith.constant 1 : index
    %get3A_6 = memref.load %arg1[%get3A_4, %get3A_5] : memref<1x8xi32, #tpu.memory_space<smem>>
    %add3A = arith.addi %get3A_3, %get3A_6 : i32
    %jit3A = arith.constant 256 : i32
    %div3A = arith.divsi %get3A_3, %jit3A : i32
    %sign3A = arith.constant 0 : i32
    %sign3A_7 = arith.cmpi sgt, %get3A_3, %sign3A : i32
    %sign3A_8 = arith.extui %sign3A_7 : i1 to i32
    %sign3A_9 = arith.constant 0 : i32
    %sign3A_10 = arith.cmpi slt, %get3A_3, %sign3A_9 : i32
    %sign3A_11 = arith.extui %sign3A_10 : i1 to i32
    %sign3A_12 = arith.subi %sign3A_8, %sign3A_11 : i32
    %sign3A_13 = arith.constant 0 : i32
    %sign3A_14 = arith.cmpi sgt, %jit3A, %sign3A_13 : i32
    %sign3A_15 = arith.extui %sign3A_14 : i1 to i32
    %sign3A_16 = arith.constant 0 : i32
    %sign3A_17 = arith.cmpi slt, %jit3A, %sign3A_16 : i32
    %sign3A_18 = arith.extui %sign3A_17 : i1 to i32
    %sign3A_19 = arith.subi %sign3A_15, %sign3A_18 : i32
    %ne3A = arith.cmpi ne, %sign3A_12, %sign3A_19 : i32
    %rem3A = arith.remsi %get3A_3, %jit3A : i32
    %ne3A_20 = arith.constant 0 : i32
    %ne3A_21 = arith.cmpi ne, %rem3A, %ne3A_20 : i32
    %and3A = arith.andi %ne3A, %ne3A_21 : i1
    %sub3A = arith.constant 1 : i32
    %sub3A_22 = arith.subi %div3A, %sub3A : i32
    %select_n3A = arith.select %and3A, %sub3A_22, %div3A : i32
    %add3A_23 = arith.constant 256 : i32
    %add3A_24 = arith.addi %add3A, %add3A_23 : i32
    %sub3A_25 = arith.constant 1 : i32
    %sub3A_26 = arith.subi %add3A_24, %sub3A_25 : i32
    %jit3A_27 = arith.constant 256 : i32
    %div3A_28 = arith.divsi %sub3A_26, %jit3A_27 : i32
    %sign3A_29 = arith.constant 0 : i32
    %sign3A_30 = arith.cmpi sgt, %sub3A_26, %sign3A_29 : i32
    %sign3A_31 = arith.extui %sign3A_30 : i1 to i32
    %sign3A_32 = arith.constant 0 : i32
    %sign3A_33 = arith.cmpi slt, %sub3A_26, %sign3A_32 : i32
    %sign3A_34 = arith.extui %sign3A_33 : i1 to i32
    %sign3A_35 = arith.subi %sign3A_31, %sign3A_34 : i32
    %sign3A_36 = arith.constant 0 : i32
    %sign3A_37 = arith.cmpi sgt, %jit3A_27, %sign3A_36 : i32
    %sign3A_38 = arith.extui %sign3A_37 : i1 to i32
    %sign3A_39 = arith.constant 0 : i32
    %sign3A_40 = arith.cmpi slt, %jit3A_27, %sign3A_39 : i32
    %sign3A_41 = arith.extui %sign3A_40 : i1 to i32
    %sign3A_42 = arith.subi %sign3A_38, %sign3A_41 : i32
    %ne3A_43 = arith.cmpi ne, %sign3A_35, %sign3A_42 : i32
    %rem3A_44 = arith.remsi %sub3A_26, %jit3A_27 : i32
    %ne3A_45 = arith.constant 0 : i32
    %ne3A_46 = arith.cmpi ne, %rem3A_44, %ne3A_45 : i32
    %and3A_47 = arith.andi %ne3A_43, %ne3A_46 : i1
    %sub3A_48 = arith.constant 1 : i32
    %sub3A_49 = arith.subi %div3A_28, %sub3A_48 : i32
    %select_n3A_50 = arith.select %and3A_47, %sub3A_49, %div3A_28 : i32
    %while3A = arith.constant 0 : i32
    %while3A_51 = arith.subi %select_n3A_50, %select_n3A : i32
    %while3A_52 = arith.addi %select_n3A, %while3A_51 : i32
    %while3A_53 = arith.constant 1 : i32
    %while3A_54 = arith.divsi %while3A_51, %while3A_53 : i32
    %while3A_55 = arith.muli %while3A_54, %while3A_53 : i32
    %while3A_56 = arith.addi %select_n3A, %while3A_55 : i32
    %while3A_57 = arith.constant 1 : i32
    scf.for %while3A_59 = %select_n3A to %while3A_56 step %while3A_57  : i32 {
      %mul3A = arith.constant 256 : i32
      %mul3A_60 = arith.muli %while3A_59, %mul3A : i32
      %get3A_61 = arith.index_cast %mul3A_60 : i32 to index
      %get3A_62 = arith.constant 0 : index
      %get3A_63 = vector.load %arg2[%get3A_61, %get3A_62] : memref<2048x256xbf16, #tpu.memory_space<vmem>>, vector<256x256xbf16>
      %get3A_64 = arith.constant 0 : index
      %get3A_65 = arith.constant 0 : index
      %get3A_66 = vector.load %arg3[%get3A_64, %get3A_65] : memref<4096x256xbf16, #tpu.memory_space<vmem>>, vector<4096x256xbf16>
      %dot_general3A = arith.constant dense<0.000000e+00> : vector<256x4096xf32>
      %dot_general3A_67 = tpu.matmul %get3A_63, %get3A_66, %dot_general3A {dimension_numbers = #tpu.dot_dimension_numbers<[1], [1], [0], [0], [0, 0, 1, 0], [], []>, transpose_lhs_hint = false} : vector<256x256xbf16>, vector<4096x256xbf16>, vector<256x4096xf32> -> vector<256x4096xf32>
      %get3A_68 = arith.constant 0 : index
      %get3A_69 = arith.constant 0 : index
      %get3A_70 = vector.load %arg4[%get3A_68, %get3A_69] : memref<1x4096xf32, #tpu.memory_space<vmem>>, vector<1x4096xf32>
      %add3A_71 = vector.broadcast %get3A_70 : vector<1x4096xf32> to vector<256x4096xf32>
      %add3A_72 = arith.addf %dot_general3A_67, %add3A_71 : vector<256x4096xf32>
      %get3A_73 = arith.index_cast %mul3A_60 : i32 to index
      %get3A_74 = arith.constant 0 : index
      %get3A_75 = vector.load %arg5[%get3A_73, %get3A_74] : memref<2048x1xf32, #tpu.memory_space<vmem>>, vector<256x1xf32>
      %exp3A = math.exp %add3A_72 : vector<256x4096xf32>
      %reduce_sum3A = arith.constant dense<0.000000e+00> : vector<256xf32>
      %reduce_sum3A_76 = vector.multi_reduction <add>, %exp3A, %reduce_sum3A [1] : vector<256x4096xf32> to vector<256xf32>
      %broadcast_in_dim3A = vector.shape_cast %reduce_sum3A_76 : vector<256xf32> to vector<256x1xf32>
      %add3A_77 = arith.addf %get3A_75, %broadcast_in_dim3A : vector<256x1xf32>
      %swap3A = arith.index_cast %mul3A_60 : i32 to index
      %swap3A_78 = arith.constant 0 : index
      %swap3A_79 = vector.load %arg5[%swap3A, %swap3A_78] : memref<2048x1xf32, #tpu.memory_space<vmem>>, vector<256x1xf32>
      tpu.vector_store %arg5[%swap3A, %swap3A_78], %add3A_77 {strides = array<i32>} : memref<2048x1xf32, #tpu.memory_space<vmem>>, vector<256x1xf32>,
    }
    %while3A_58 = arith.constant 1 : i32
    scf.for %while3A_59 = %while3A_56 to %while3A_52 step %while3A_58  : i32 {
      %mul3A = arith.constant 256 : i32
      %mul3A_60 = arith.muli %while3A_59, %mul3A : i32
      %get3A_61 = arith.index_cast %mul3A_60 : i32 to index
      %get3A_62 = arith.constant 0 : index
      %get3A_63 = vector.load %arg2[%get3A_61, %get3A_62] : memref<2048x256xbf16, #tpu.memory_space<vmem>>, vector<256x256xbf16>
      %get3A_64 = arith.constant 0 : index
      %get3A_65 = arith.constant 0 : index
      %get3A_66 = vector.load %arg3[%get3A_64, %get3A_65] : memref<4096x256xbf16, #tpu.memory_space<vmem>>, vector<4096x256xbf16>
      %dot_general3A = arith.constant dense<0.000000e+00> : vector<256x4096xf32>
      %dot_general3A_67 = tpu.matmul %get3A_63, %get3A_66, %dot_general3A {dimension_numbers = #tpu.dot_dimension_numbers<[1], [1], [0], [0], [0, 0, 1, 0], [], []>, transpose_lhs_hint = false} : vector<256x256xbf16>, vector<4096x256xbf16>, vector<256x4096xf32> -> vector<256x4096xf32>
      %get3A_68 = arith.constant 0 : index
      %get3A_69 = arith.constant 0 : index
      %get3A_70 = vector.load %arg4[%get3A_68, %get3A_69] : memref<1x4096xf32, #tpu.memory_space<vmem>>, vector<1x4096xf32>
      %add3A_71 = vector.broadcast %get3A_70 : vector<1x4096xf32> to vector<256x4096xf32>
      %add3A_72 = arith.addf %dot_general3A_67, %add3A_71 : vector<256x4096xf32>
      %get3A_73 = arith.index_cast %mul3A_60 : i32 to index
      %get3A_74 = arith.constant 0 : index
      %get3A_75 = vector.load %arg5[%get3A_73, %get3A_74] : memref<2048x1xf32, #tpu.memory_space<vmem>>, vector<256x1xf32>
      %exp3A = math.exp %add3A_72 : vector<256x4096xf32>
      %reduce_sum3A = arith.constant dense<0.000000e+00> : vector<256xf32>
      %reduce_sum3A_76 = vector.multi_reduction <add>, %exp3A, %reduce_sum3A [1] : vector<256x4096xf32> to vector<256xf32>
      %broadcast_in_dim3A = vector.shape_cast %reduce_sum3A_76 : vector<256xf32> to vector<256x1xf32>
      %add3A_77 = arith.addf %get3A_75, %broadcast_in_dim3A : vector<256x1xf32>
      %swap3A = arith.index_cast %mul3A_60 : i32 to index
      %swap3A_78 = arith.constant 0 : index
      %swap3A_79 = vector.load %arg5[%swap3A, %swap3A_78] : memref<2048x1xf32, #tpu.memory_space<vmem>>, vector<256x1xf32>
      tpu.vector_store %arg5[%swap3A, %swap3A_78], %add3A_77 {strides = array<i32>} : memref<2048x1xf32, #tpu.memory_space<vmem>>, vector<256x1xf32>,
    }
    return
  }
  func.func @transform_0(%arg0: i32) -> (i32, i32) {
    %c0_i32 = arith.constant 0 : i32
    %c0_i32_0 = arith.constant 0 : i32
    %c0_i32_1 = arith.constant 0 : i32
    return %c0_i32, %c0_i32_0 : i32, i32
  }
  func.func @transform_1(%arg0: i32) -> (i32, i32) {
    %c0_i32 = arith.constant 0 : i32
    %c0_i32_0 = arith.constant 0 : i32
    %c0_i32_1 = arith.constant 0 : i32
    return %c0_i32, %c0_i32_0 : i32, i32
  }
  func.func @transform_2(%arg0: i32) -> (i32, i32) {
    %c0_i32 = arith.constant 0 : i32
    %c0_i32_0 = arith.constant 0 : i32
    return %arg0, %c0_i32 : i32, i32
  }
  func.func @transform_3(%arg0: i32) -> (i32, i32) {
    %c0_i32 = arith.constant 0 : i32
    %c0_i32_0 = arith.constant 0 : i32
    return %c0_i32, %arg0 : i32, i32
  }
  func.func @transform_4(%arg0: i32) -> (i32, i32) {
    %c0_i32 = arith.constant 0 : i32
    %c0_i32_0 = arith.constant 0 : i32
    %c0_i32_1 = arith.constant 0 : i32
    return %c0_i32, %c0_i32_0 : i32, i32
  }
}

module attributes {stable_mosaic.version = 14 : i64} {
  func.func @_tail_body(%arg0: i32, %arg1: memref<1x8xi32, #tpu.memory_space<smem>>, %arg2: memref<2048x64xbf16, #tpu.memory_space<vmem>>, %arg3: memref<4096x64xbf16, #tpu.memory_space<vmem>>, %arg4: memref<1x4096xf32, #tpu.memory_space<vmem>>, %arg5: memref<2048x1xf32, #tpu.memory_space<vmem>>) attributes {dimension_semantics = [#tpu.dimension_semantics<arbitrary>], iteration_bounds = array<i64: 10>, scalar_prefetch = 0 : i64, scratch_operands = 0 : i64, tpu.core_type = #tpu.core_type<tc>, window_params = [{transform_indices = @transform_0, window_bounds = array<i64: 1, 8>}, {pipeline_mode = #tpu.pipeline_mode<synchronous>, transform_indices = @transform_1, window_bounds = array<i64: 2048, 64>}, {transform_indices = @transform_2, window_bounds = array<i64: 4096, 64>}, {transform_indices = @transform_3, window_bounds = array<i64: 1, 4096>}, {pipeline_mode = #tpu.pipeline_mode<synchronous>, transform_indices = @transform_4, window_bounds = array<i64: 2048, 1>}]} {
    %eq3A = arith.constant 0 : i32
    %eq3A_0 = arith.cmpi eq, %arg0, %eq3A : i32
    %convert_element_type3A = arith.extui %eq3A_0 : i1 to i32
    %cond3A = arith.constant 0 : i32
    %cond3A_1 = arith.cmpi ne, %convert_element_type3A, %cond3A : i32
    scf.if %cond3A_1 {
      %broadcast_in_dim3A = arith.constant 0.000000e+00 : f32
      %broadcast_in_dim3A_64 = vector.broadcast %broadcast_in_dim3A : f32 to vector<2048x1xf32>
      %swap3A = arith.constant 0 : index
      %swap3A_65 = arith.constant 0 : index
      %swap3A_66 = vector.load %arg5[%swap3A, %swap3A_65] : memref<2048x1xf32, #tpu.memory_space<vmem>>, vector<2048x1xf32>
      tpu.vector_store %arg5[%swap3A, %swap3A_65], %broadcast_in_dim3A_64 {strides = array<i32>} : memref<2048x1xf32, #tpu.memory_space<vmem>>, vector<2048x1xf32>,
    } else {
    }
    %get3A = arith.constant 0 : index
    %get3A_2 = arith.constant 0 : index
    %get3A_3 = memref.load %arg1[%get3A, %get3A_2] : memref<1x8xi32, #tpu.memory_space<smem>>
    %get3A_4 = arith.constant 0 : index
    %get3A_5 = arith.constant 1 : index
    %get3A_6 = memref.load %arg1[%get3A_4, %get3A_5] : memref<1x8xi32, #tpu.memory_space<smem>>
    %add3A = arith.addi %get3A_3, %get3A_6 : i32
    %add3A_7 = arith.addi %get3A_3, %get3A_6 : i32
    %get3A_8 = arith.constant 0 : index
    %get3A_9 = arith.constant 2 : index
    %get3A_10 = memref.load %arg1[%get3A_8, %get3A_9] : memref<1x8xi32, #tpu.memory_space<smem>>
    %add3A_11 = arith.addi %add3A_7, %get3A_10 : i32
    %jit3A = arith.constant 256 : i32
    %div3A = arith.divsi %add3A, %jit3A : i32
    %sign3A = arith.constant 0 : i32
    %sign3A_12 = arith.cmpi sgt, %add3A, %sign3A : i32
    %sign3A_13 = arith.extui %sign3A_12 : i1 to i32
    %sign3A_14 = arith.constant 0 : i32
    %sign3A_15 = arith.cmpi slt, %add3A, %sign3A_14 : i32
    %sign3A_16 = arith.extui %sign3A_15 : i1 to i32
    %sign3A_17 = arith.subi %sign3A_13, %sign3A_16 : i32
    %sign3A_18 = arith.constant 0 : i32
    %sign3A_19 = arith.cmpi sgt, %jit3A, %sign3A_18 : i32
    %sign3A_20 = arith.extui %sign3A_19 : i1 to i32
    %sign3A_21 = arith.constant 0 : i32
    %sign3A_22 = arith.cmpi slt, %jit3A, %sign3A_21 : i32
    %sign3A_23 = arith.extui %sign3A_22 : i1 to i32
    %sign3A_24 = arith.subi %sign3A_20, %sign3A_23 : i32
    %ne3A = arith.cmpi ne, %sign3A_17, %sign3A_24 : i32
    %rem3A = arith.remsi %add3A, %jit3A : i32
    %ne3A_25 = arith.constant 0 : i32
    %ne3A_26 = arith.cmpi ne, %rem3A, %ne3A_25 : i32
    %and3A = arith.andi %ne3A, %ne3A_26 : i1
    %sub3A = arith.constant 1 : i32
    %sub3A_27 = arith.subi %div3A, %sub3A : i32
    %select_n3A = arith.select %and3A, %sub3A_27, %div3A : i32
    %add3A_28 = arith.constant 256 : i32
    %add3A_29 = arith.addi %add3A_11, %add3A_28 : i32
    %sub3A_30 = arith.constant 1 : i32
    %sub3A_31 = arith.subi %add3A_29, %sub3A_30 : i32
    %jit3A_32 = arith.constant 256 : i32
    %div3A_33 = arith.divsi %sub3A_31, %jit3A_32 : i32
    %sign3A_34 = arith.constant 0 : i32
    %sign3A_35 = arith.cmpi sgt, %sub3A_31, %sign3A_34 : i32
    %sign3A_36 = arith.extui %sign3A_35 : i1 to i32
    %sign3A_37 = arith.constant 0 : i32
    %sign3A_38 = arith.cmpi slt, %sub3A_31, %sign3A_37 : i32
    %sign3A_39 = arith.extui %sign3A_38 : i1 to i32
    %sign3A_40 = arith.subi %sign3A_36, %sign3A_39 : i32
    %sign3A_41 = arith.constant 0 : i32
    %sign3A_42 = arith.cmpi sgt, %jit3A_32, %sign3A_41 : i32
    %sign3A_43 = arith.extui %sign3A_42 : i1 to i32
    %sign3A_44 = arith.constant 0 : i32
    %sign3A_45 = arith.cmpi slt, %jit3A_32, %sign3A_44 : i32
    %sign3A_46 = arith.extui %sign3A_45 : i1 to i32
    %sign3A_47 = arith.subi %sign3A_43, %sign3A_46 : i32
    %ne3A_48 = arith.cmpi ne, %sign3A_40, %sign3A_47 : i32
    %rem3A_49 = arith.remsi %sub3A_31, %jit3A_32 : i32
    %ne3A_50 = arith.constant 0 : i32
    %ne3A_51 = arith.cmpi ne, %rem3A_49, %ne3A_50 : i32
    %and3A_52 = arith.andi %ne3A_48, %ne3A_51 : i1
    %sub3A_53 = arith.constant 1 : i32
    %sub3A_54 = arith.subi %div3A_33, %sub3A_53 : i32
    %select_n3A_55 = arith.select %and3A_52, %sub3A_54, %div3A_33 : i32
    %while3A = arith.constant 0 : i32
    %while3A_56 = arith.subi %select_n3A_55, %select_n3A : i32
    %while3A_57 = arith.addi %select_n3A, %while3A_56 : i32
    %while3A_58 = arith.constant 1 : i32
    %while3A_59 = arith.divsi %while3A_56, %while3A_58 : i32
    %while3A_60 = arith.muli %while3A_59, %while3A_58 : i32
    %while3A_61 = arith.addi %select_n3A, %while3A_60 : i32
    %while3A_62 = arith.constant 1 : i32
    scf.for %while3A_64 = %select_n3A to %while3A_61 step %while3A_62  : i32 {
      %mul3A = arith.constant 256 : i32
      %mul3A_65 = arith.muli %while3A_64, %mul3A : i32
      %get3A_66 = arith.index_cast %mul3A_65 : i32 to index
      %get3A_67 = arith.constant 0 : index
      %get3A_68 = vector.load %arg2[%get3A_66, %get3A_67] : memref<2048x64xbf16, #tpu.memory_space<vmem>>, vector<256x64xbf16>
      %get3A_69 = arith.constant 0 : index
      %get3A_70 = arith.constant 0 : index
      %get3A_71 = vector.load %arg3[%get3A_69, %get3A_70] : memref<4096x64xbf16, #tpu.memory_space<vmem>>, vector<4096x64xbf16>
      %dot_general3A = arith.constant dense<0.000000e+00> : vector<256x4096xf32>
      %dot_general3A_72 = tpu.matmul %get3A_68, %get3A_71, %dot_general3A {dimension_numbers = #tpu.dot_dimension_numbers<[1], [1], [0], [0], [0, 0, 1, 0], [], []>, transpose_lhs_hint = false} : vector<256x64xbf16>, vector<4096x64xbf16>, vector<256x4096xf32> -> vector<256x4096xf32>
      %get3A_73 = arith.constant 0 : index
      %get3A_74 = arith.constant 0 : index
      %get3A_75 = vector.load %arg4[%get3A_73, %get3A_74] : memref<1x4096xf32, #tpu.memory_space<vmem>>, vector<1x4096xf32>
      %add3A_76 = vector.broadcast %get3A_75 : vector<1x4096xf32> to vector<256x4096xf32>
      %add3A_77 = arith.addf %dot_general3A_72, %add3A_76 : vector<256x4096xf32>
      %get3A_78 = arith.index_cast %mul3A_65 : i32 to index
      %get3A_79 = arith.constant 0 : index
      %get3A_80 = vector.load %arg5[%get3A_78, %get3A_79] : memref<2048x1xf32, #tpu.memory_space<vmem>>, vector<256x1xf32>
      %exp3A = math.exp %add3A_77 : vector<256x4096xf32>
      %reduce_sum3A = arith.constant dense<0.000000e+00> : vector<256xf32>
      %reduce_sum3A_81 = vector.multi_reduction <add>, %exp3A, %reduce_sum3A [1] : vector<256x4096xf32> to vector<256xf32>
      %broadcast_in_dim3A = vector.shape_cast %reduce_sum3A_81 : vector<256xf32> to vector<256x1xf32>
      %add3A_82 = arith.addf %get3A_80, %broadcast_in_dim3A : vector<256x1xf32>
      %swap3A = arith.index_cast %mul3A_65 : i32 to index
      %swap3A_83 = arith.constant 0 : index
      %swap3A_84 = vector.load %arg5[%swap3A, %swap3A_83] : memref<2048x1xf32, #tpu.memory_space<vmem>>, vector<256x1xf32>
      tpu.vector_store %arg5[%swap3A, %swap3A_83], %add3A_82 {strides = array<i32>} : memref<2048x1xf32, #tpu.memory_space<vmem>>, vector<256x1xf32>,
    }
    %while3A_63 = arith.constant 1 : i32
    scf.for %while3A_64 = %while3A_61 to %while3A_57 step %while3A_63  : i32 {
      %mul3A = arith.constant 256 : i32
      %mul3A_65 = arith.muli %while3A_64, %mul3A : i32
      %get3A_66 = arith.index_cast %mul3A_65 : i32 to index
      %get3A_67 = arith.constant 0 : index
      %get3A_68 = vector.load %arg2[%get3A_66, %get3A_67] : memref<2048x64xbf16, #tpu.memory_space<vmem>>, vector<256x64xbf16>
      %get3A_69 = arith.constant 0 : index
      %get3A_70 = arith.constant 0 : index
      %get3A_71 = vector.load %arg3[%get3A_69, %get3A_70] : memref<4096x64xbf16, #tpu.memory_space<vmem>>, vector<4096x64xbf16>
      %dot_general3A = arith.constant dense<0.000000e+00> : vector<256x4096xf32>
      %dot_general3A_72 = tpu.matmul %get3A_68, %get3A_71, %dot_general3A {dimension_numbers = #tpu.dot_dimension_numbers<[1], [1], [0], [0], [0, 0, 1, 0], [], []>, transpose_lhs_hint = false} : vector<256x64xbf16>, vector<4096x64xbf16>, vector<256x4096xf32> -> vector<256x4096xf32>
      %get3A_73 = arith.constant 0 : index
      %get3A_74 = arith.constant 0 : index
      %get3A_75 = vector.load %arg4[%get3A_73, %get3A_74] : memref<1x4096xf32, #tpu.memory_space<vmem>>, vector<1x4096xf32>
      %add3A_76 = vector.broadcast %get3A_75 : vector<1x4096xf32> to vector<256x4096xf32>
      %add3A_77 = arith.addf %dot_general3A_72, %add3A_76 : vector<256x4096xf32>
      %get3A_78 = arith.index_cast %mul3A_65 : i32 to index
      %get3A_79 = arith.constant 0 : index
      %get3A_80 = vector.load %arg5[%get3A_78, %get3A_79] : memref<2048x1xf32, #tpu.memory_space<vmem>>, vector<256x1xf32>
      %exp3A = math.exp %add3A_77 : vector<256x4096xf32>
      %reduce_sum3A = arith.constant dense<0.000000e+00> : vector<256xf32>
      %reduce_sum3A_81 = vector.multi_reduction <add>, %exp3A, %reduce_sum3A [1] : vector<256x4096xf32> to vector<256xf32>
      %broadcast_in_dim3A = vector.shape_cast %reduce_sum3A_81 : vector<256xf32> to vector<256x1xf32>
      %add3A_82 = arith.addf %get3A_80, %broadcast_in_dim3A : vector<256x1xf32>
      %swap3A = arith.index_cast %mul3A_65 : i32 to index
      %swap3A_83 = arith.constant 0 : index
      %swap3A_84 = vector.load %arg5[%swap3A, %swap3A_83] : memref<2048x1xf32, #tpu.memory_space<vmem>>, vector<256x1xf32>
      tpu.vector_store %arg5[%swap3A, %swap3A_83], %add3A_82 {strides = array<i32>} : memref<2048x1xf32, #tpu.memory_space<vmem>>, vector<256x1xf32>,
    }
    return
  }
  func.func @transform_0(%arg0: i32) -> (i32, i32) {
    %c0_i32 = arith.constant 0 : i32
    %c0_i32_0 = arith.constant 0 : i32
    %c0_i32_1 = arith.constant 0 : i32
    return %c0_i32, %c0_i32_0 : i32, i32
  }
  func.func @transform_1(%arg0: i32) -> (i32, i32) {
    %c0_i32 = arith.constant 0 : i32
    %c0_i32_0 = arith.constant 0 : i32
    %c0_i32_1 = arith.constant 0 : i32
    return %c0_i32, %c0_i32_0 : i32, i32
  }
  func.func @transform_2(%arg0: i32) -> (i32, i32) {
    %c0_i32 = arith.constant 0 : i32
    %c0_i32_0 = arith.constant 0 : i32
    return %arg0, %c0_i32 : i32, i32
  }
  func.func @transform_3(%arg0: i32) -> (i32, i32) {
    %c0_i32 = arith.constant 0 : i32
    %c0_i32_0 = arith.constant 0 : i32
    return %c0_i32, %arg0 : i32, i32
  }
  func.func @transform_4(%arg0: i32) -> (i32, i32) {
    %c0_i32 = arith.constant 0 : i32
    %c0_i32_0 = arith.constant 0 : i32
    %c0_i32_1 = arith.constant 0 : i32
    return %c0_i32, %c0_i32_0 : i32, i32
  }
}

module attributes {stable_mosaic.version = 14 : i64} {
  func.func @_combine_body(%arg0: memref<2048x1xi32, #tpu.memory_space<vmem>>, %arg1: memref<2048x1xi32, #tpu.memory_space<vmem>>, %arg2: memref<2048x1xf32, #tpu.memory_space<vmem>>, %arg3: memref<2048x1xf32, #tpu.memory_space<vmem>>, %arg4: memref<2048x1xf32, #tpu.memory_space<vmem>>, %arg5: memref<2048x1024xbf16, #tpu.memory_space<vmem>>, %arg6: memref<2048x1024xf32, #tpu.memory_space<vmem>>, %arg7: memref<2048x256xbf16, #tpu.memory_space<vmem>>, %arg8: memref<2048x256xf32, #tpu.memory_space<vmem>>, %arg9: memref<2048x64xbf16, #tpu.memory_space<vmem>>, %arg10: memref<2048x128xf32, #tpu.memory_space<vmem>>, %arg11: memref<2048x1xf32, #tpu.memory_space<vmem>>, %arg12: memref<2048x1xf32, #tpu.memory_space<vmem>>, %arg13: memref<2048x1xf32, #tpu.memory_space<vmem>>) attributes {dimension_semantics = [], scalar_prefetch = 0 : i64, scratch_operands = 0 : i64, tpu.core_type = #tpu.core_type<tc>} {
    %get3A = arith.constant 0 : index
    %get3A_0 = arith.constant 0 : index
    %get3A_1 = vector.load %arg0[%get3A, %get3A_0] : memref<2048x1xi32, #tpu.memory_space<vmem>>, vector<2048x1xi32>
    %get3A_2 = arith.constant 0 : index
    %get3A_3 = arith.constant 0 : index
    %get3A_4 = vector.load %arg5[%get3A_2, %get3A_3] : memref<2048x1024xbf16, #tpu.memory_space<vmem>>, vector<2048x1024xbf16>
    %convert_element_type3A = arith.extf %get3A_4 : vector<2048x1024xbf16> to vector<2048x1024xf32>
    %get3A_5 = arith.constant 0 : index
    %get3A_6 = arith.constant 0 : index
    %get3A_7 = vector.load %arg6[%get3A_5, %get3A_6] : memref<2048x1024xf32, #tpu.memory_space<vmem>>, vector<2048x1024xf32>
    %mul3A = arith.mulf %convert_element_type3A, %get3A_7 : vector<2048x1024xf32>
    %reduce_sum3A = arith.constant dense<0.000000e+00> : vector<2048xf32>
    %reduce_sum3A_8 = vector.multi_reduction <add>, %mul3A, %reduce_sum3A [1] : vector<2048x1024xf32> to vector<2048xf32>
    %broadcast_in_dim3A = vector.shape_cast %reduce_sum3A_8 : vector<2048xf32> to vector<2048x1xf32>
    %get3A_9 = arith.constant 0 : index
    %get3A_10 = arith.constant 0 : index
    %get3A_11 = vector.load %arg7[%get3A_9, %get3A_10] : memref<2048x256xbf16, #tpu.memory_space<vmem>>, vector<2048x256xbf16>
    %convert_element_type3A_12 = arith.extf %get3A_11 : vector<2048x256xbf16> to vector<2048x256xf32>
    %get3A_13 = arith.constant 0 : index
    %get3A_14 = arith.constant 0 : index
    %get3A_15 = vector.load %arg8[%get3A_13, %get3A_14] : memref<2048x256xf32, #tpu.memory_space<vmem>>, vector<2048x256xf32>
    %mul3A_16 = arith.mulf %convert_element_type3A_12, %get3A_15 : vector<2048x256xf32>
    %reduce_sum3A_17 = arith.constant dense<0.000000e+00> : vector<2048xf32>
    %reduce_sum3A_18 = vector.multi_reduction <add>, %mul3A_16, %reduce_sum3A_17 [1] : vector<2048x256xf32> to vector<2048xf32>
    %broadcast_in_dim3A_19 = vector.shape_cast %reduce_sum3A_18 : vector<2048xf32> to vector<2048x1xf32>
    %sub3A = arith.constant 60000 : i32
    %sub3A_20 = vector.broadcast %sub3A : i32 to vector<2048x1xi32>
    %sub3A_21 = arith.subi %get3A_1, %sub3A_20 : vector<2048x1xi32>
    %jit3A = arith.constant 2 : i32
    %eq3A = arith.constant 0 : i32
    %eq3A_22 = arith.cmpi eq, %jit3A, %eq3A : i32
    %jit3A_23 = arith.constant 1 : i32
    %select_n3A = arith.select %eq3A_22, %jit3A_23, %jit3A : i32
    %rem3A = vector.broadcast %select_n3A : i32 to vector<2048x1xi32>
    %rem3A_24 = arith.remsi %sub3A_21, %rem3A : vector<2048x1xi32>
    %ne3A = arith.constant 0 : i32
    %ne3A_25 = vector.broadcast %ne3A : i32 to vector<2048x1xi32>
    %ne3A_26 = arith.cmpi ne, %rem3A_24, %ne3A_25 : vector<2048x1xi32>
    %lt3A = arith.constant 0 : i32
    %lt3A_27 = vector.broadcast %lt3A : i32 to vector<2048x1xi32>
    %lt3A_28 = arith.cmpi slt, %rem3A_24, %lt3A_27 : vector<2048x1xi32>
    %lt3A_29 = arith.constant 0 : i32
    %lt3A_30 = arith.cmpi slt, %select_n3A, %lt3A_29 : i32
    %ne3A_31 = vector.broadcast %lt3A_30 : i1 to vector<2048x1xi1>
    %ne3A_32 = vector.broadcast %ne3A_31 : vector<2048x1xi1> to vector<2048x1xi1>
    %ne3A_33 = arith.xori %lt3A_28, %ne3A_32 : vector<2048x1xi1>
    %and3A = arith.andi %ne3A_33, %ne3A_26 : vector<2048x1xi1>
    %add3A = vector.broadcast %select_n3A : i32 to vector<2048x1xi32>
    %add3A_34 = arith.addi %rem3A_24, %add3A : vector<2048x1xi32>
    %select_n3A_35 = arith.select %and3A, %add3A_34, %rem3A_24 : vector<2048x1xi1>, vector<2048x1xi32>
    %eq3A_36 = arith.constant 1 : i32
    %eq3A_37 = vector.broadcast %eq3A_36 : i32 to vector<2048x1xi32>
    %eq3A_38 = arith.cmpi eq, %select_n3A_35, %eq3A_37 : vector<2048x1xi32>
    %get3A_39 = arith.constant 0 : index
    %get3A_40 = arith.constant 64 : index
    %get3A_41 = vector.load %arg10[%get3A_39, %get3A_40] : memref<2048x128xf32, #tpu.memory_space<vmem>>, vector<2048x64xf32>
    %get3A_42 = arith.constant 0 : index
    %get3A_43 = arith.constant 0 : index
    %get3A_44 = vector.load %arg10[%get3A_42, %get3A_43] : memref<2048x128xf32, #tpu.memory_space<vmem>>, vector<2048x64xf32>
    %broadcast_in_dim3A_45 = vector.shape_cast %eq3A_38 : vector<2048x1xi1> to vector<2048x1xi1>
    %broadcast_in_dim3A_46 = vector.broadcast %broadcast_in_dim3A_45 : vector<2048x1xi1> to vector<2048x64xi1>
    %select_n3A_47 = arith.select %broadcast_in_dim3A_46, %get3A_41, %get3A_44 : vector<2048x64xi1>, vector<2048x64xf32>
    %get3A_48 = arith.constant 0 : index
    %get3A_49 = arith.constant 0 : index
    %get3A_50 = vector.load %arg9[%get3A_48, %get3A_49] : memref<2048x64xbf16, #tpu.memory_space<vmem>>, vector<2048x64xbf16>
    %convert_element_type3A_51 = arith.extf %get3A_50 : vector<2048x64xbf16> to vector<2048x64xf32>
    %mul3A_52 = arith.mulf %convert_element_type3A_51, %select_n3A_47 : vector<2048x64xf32>
    %reduce_sum3A_53 = arith.constant dense<0.000000e+00> : vector<2048xf32>
    %reduce_sum3A_54 = vector.multi_reduction <add>, %mul3A_52, %reduce_sum3A_53 [1] : vector<2048x64xf32> to vector<2048xf32>
    %broadcast_in_dim3A_55 = vector.shape_cast %reduce_sum3A_54 : vector<2048xf32> to vector<2048x1xf32>
    %get3A_56 = arith.constant 0 : index
    %get3A_57 = arith.constant 0 : index
    %get3A_58 = vector.load %arg1[%get3A_56, %get3A_57] : memref<2048x1xi32, #tpu.memory_space<vmem>>, vector<2048x1xi32>
    %iota3A = tpu.iota {dimensions = array<i32: 1>} : vector<2048x2048xi32>
    %eq3A_59 = vector.broadcast %get3A_58 : vector<2048x1xi32> to vector<2048x2048xi32>
    %eq3A_60 = arith.cmpi eq, %iota3A, %eq3A_59 : vector<2048x2048xi32>
    %convert_element_type3A_61 = arith.extui %eq3A_60 : vector<2048x2048xi1> to vector<2048x2048xi32>
    %convert_element_type3A_62 = arith.sitofp %convert_element_type3A_61 : vector<2048x2048xi32> to vector<2048x2048xf32>
    %convert_element_type3A_63 = arith.truncf %convert_element_type3A_62 : vector<2048x2048xf32> to vector<2048x2048xbf16>
    %get3A_64 = arith.constant 0 : index
    %get3A_65 = arith.constant 0 : index
    %get3A_66 = vector.load %arg11[%get3A_64, %get3A_65] : memref<2048x1xf32, #tpu.memory_space<vmem>>, vector<2048x1xf32>
    %get3A_67 = arith.constant 0 : index
    %get3A_68 = arith.constant 0 : index
    %get3A_69 = vector.load %arg12[%get3A_67, %get3A_68] : memref<2048x1xf32, #tpu.memory_space<vmem>>, vector<2048x1xf32>
    %broadcast_in_dim3A_70 = arith.constant 0.000000e+00 : f32
    %broadcast_in_dim3A_71 = vector.broadcast %broadcast_in_dim3A_70 : f32 to vector<2048x126xf32>
    %concatenate3A = tpu.concatenate %get3A_66, %get3A_69, %broadcast_in_dim3A_71 in 1 : vector<2048x1xf32>, vector<2048x1xf32>, vector<2048x126xf32> -> vector<2048x128xf32>
    %convert_element_type3A_72 = arith.truncf %concatenate3A : vector<2048x128xf32> to vector<2048x128xbf16>
    %dot_general3A = arith.constant dense<0.000000e+00> : vector<2048x128xf32>
    %dot_general3A_73 = tpu.matmul %convert_element_type3A_63, %convert_element_type3A_72, %dot_general3A {dimension_numbers = #tpu.dot_dimension_numbers<[1], [0], [0], [1], [0, 0, 1, 1], [], []>, transpose_lhs_hint = false} : vector<2048x2048xbf16>, vector<2048x128xbf16>, vector<2048x128xf32> -> vector<2048x128xf32>
    %slice3A = vector.extract_strided_slice %dot_general3A_73 {offsets = [0, 0], sizes = [2048, 1], strides = [1, 1]} : vector<2048x128xf32> to vector<2048x1xf32>
    %slice3A_74 = vector.extract_strided_slice %dot_general3A_73 {offsets = [0, 1], sizes = [2048, 1], strides = [1, 1]} : vector<2048x128xf32> to vector<2048x1xf32>
    %get3A_75 = arith.constant 0 : index
    %get3A_76 = arith.constant 0 : index
    %get3A_77 = vector.load %arg2[%get3A_75, %get3A_76] : memref<2048x1xf32, #tpu.memory_space<vmem>>, vector<2048x1xf32>
    %log3A = math.log %get3A_77 : vector<2048x1xf32>
    %sub3A_78 = arith.subf %log3A, %broadcast_in_dim3A : vector<2048x1xf32>
    %get3A_79 = arith.constant 0 : index
    %get3A_80 = arith.constant 0 : index
    %get3A_81 = vector.load %arg4[%get3A_79, %get3A_80] : memref<2048x1xf32, #tpu.memory_space<vmem>>, vector<2048x1xf32>
    %sub3A_82 = arith.subf %log3A, %get3A_81 : vector<2048x1xf32>
    %log3A_83 = math.log %slice3A : vector<2048x1xf32>
    %add3A_84 = arith.addf %sub3A_82, %log3A_83 : vector<2048x1xf32>
    %sub3A_85 = arith.subf %add3A_84, %broadcast_in_dim3A_19 : vector<2048x1xf32>
    %get3A_86 = arith.constant 0 : index
    %get3A_87 = arith.constant 0 : index
    %get3A_88 = vector.load %arg3[%get3A_86, %get3A_87] : memref<2048x1xf32, #tpu.memory_space<vmem>>, vector<2048x1xf32>
    %sub3A_89 = arith.subf %log3A, %get3A_88 : vector<2048x1xf32>
    %log3A_90 = math.log %slice3A_74 : vector<2048x1xf32>
    %add3A_91 = arith.addf %sub3A_89, %log3A_90 : vector<2048x1xf32>
    %sub3A_92 = arith.subf %add3A_91, %broadcast_in_dim3A_55 : vector<2048x1xf32>
    %lt3A_93 = arith.constant 20000 : i32
    %lt3A_94 = vector.broadcast %lt3A_93 : i32 to vector<2048x1xi32>
    %lt3A_95 = arith.cmpi slt, %get3A_1, %lt3A_94 : vector<2048x1xi32>
    %lt3A_96 = arith.constant 60000 : i32
    %lt3A_97 = vector.broadcast %lt3A_96 : i32 to vector<2048x1xi32>
    %lt3A_98 = arith.cmpi slt, %get3A_1, %lt3A_97 : vector<2048x1xi32>
    %select_n3A_99 = arith.select %lt3A_98, %sub3A_85, %sub3A_92 : vector<2048x1xi1>, vector<2048x1xf32>
    %select_n3A_100 = arith.select %lt3A_95, %sub3A_78, %select_n3A_99 : vector<2048x1xi1>, vector<2048x1xf32>
    %swap3A = arith.constant 0 : index
    %swap3A_101 = arith.constant 0 : index
    %swap3A_102 = vector.load %arg13[%swap3A, %swap3A_101] : memref<2048x1xf32, #tpu.memory_space<vmem>>, vector<2048x1xf32>
    tpu.vector_store %arg13[%swap3A, %swap3A_101], %select_n3A_100 {strides = array<i32>} : memref<2048x1xf32, #tpu.memory_space<vmem>>, vector<2048x1xf32>,
    return
  }
}

</mosaic_0001>

<sc_bundles>
// kernel: kernel.8.cloned.1.call-start
scs
__scs_entry_jumppad:
0x0: {  	(pc) =	sbr.rel $0x88, $3  }
0x1: {  	(tag) =	ssettag $0x0;
	lr =	simm.s32 $0x1  }
0x2: {  	[smem:$0x3F94] =	sst lr;
	_ =	strace $0xD0000000  }
0x3: {  	_ = 	snop  }
0x4: {  	_ = 	snop  }
0x5: {  	_ = 	snop  }
0x6: {  	_ = 	snop  }
0x7: {  	_ = 	snop  }
__scs_overlays_trampoline_lowered:
0x8: {  	[smem:$0x3FA3] =	sst s0  }
0x9: {  	[smem:$0x3FA4] =	sst s1  }
0xa: {  	[smem:$0x3FA5] =	sst s2  }
0xb: {  	[smem:$0x3FA6] =	sst s3  }
0xc: {  	[smem:$0x3FA7] =	sst s4  }
0xd: {  	[smem:$0x3FA8] =	sst s5  }
0xe: {  	[smem:$0x3FA9] =	sst s6  }
0xf: {  	[smem:$0x3FAA] =	sst s7  }
0x10: {  	[smem:$0x3FAB] =	sst s8  }
0x11: {  	[smem:$0x3FAC] =	sst s9;
	s0 =	simm.s32 @!p0 $0x0  }
0x12: {  	s1 =	sld [smem:$0x3F92];
	s0 =	simm.s32 @p0 $0x1  }
0x13: {  	[smem:$0x3FAD] =	sst s0;
	s0 =	simm.s32 @!p1 $0x0  }
0x14: {  	s2 =	sld [smem:$0x3F91];
	s0 =	simm.s32 @p1 $0x1  }
0x15: {  	[smem:$0x3FAE] =	sst s0;
	s0 =	simm.s32 @!p2 $0x0  }
0x16: {  	s3 =	sld [smem:$0x3FDB];
	s0 =	simm.s32 @p2 $0x1  }
0x17: {  	s4 =	simm.s32 $0x1BF5;
	[smem:$0x3FB0] =	sst s0  }
0x18: {  	s0 =	sld [smem:$0x3F93];
	_ =	swait.ge [sflag:s4], $0x0  }
0x19: {  	s7 =	sld [smem:$0x3F94]  }
0x1a: {  	s8 =	sadd.s32 $0xFFFFE003, lr  }
0x1b: {  	s9 =	sadd.s32 $0xFFFFFEF7, lr;
	s5 =	simm.s32 $0xFFFFFFFF;
	p2 =	slt.u32 s8, $0xFFFFF086  }
0x1c: {  	p1 =	slt.u32 s9, $0xF7A;
	s5 =	simm.s32 @!p2 $0x0  }
0x1d: {  	s5 =	simm.s32 @p1 $0x1;
	p0 =	seq.s32 s7, s2  }
0x1e: {  	s7 =	smul.u32 @!p0 $0xF7A, s2;
	p2 =	seq.s32 @!p0 s5, $0x0  }
0x1f: {  	s9 =	smul.u32 $0xF7A, s1;
	s8 =	simm.s32 @!p0 $0x1BF5;
	p2 =	por !p2, p0  }
0x20: {  	[sflag:s8] =	ssyncset.s32 @!p0 $0xFFFFF086;
	s6 =	sadd.s32 @!p0 s3, s7;
	s7 =	simm.s32 @!p0 $0x108  }
0x21: {  	s3 =	sadd.s32 s3, s9;
	s6 =	sadd.s32 @!p0 $0x88, s6;
	s7 =	simm.s32 @p2 $0x1082  }
0x22: {  	[simem:s7], [sflag:s8] =	dma.local @!p0 [hbm:s6], $0xF7A  }
0x23: {  	s9 =	sor.u32 $0xD0000000, s2;
	s6 =	simm.s32 $0x108;
	_ =	swait.ge @!p0 [sflag:s8], $0x0  }
0x24: {  	s3 =	sadd.s32 $0x88, s3;
	s6 =	simm.s32 @!p1 $0x1082;
	[sflag:s4] =	ssyncset.s32 $0xFFFFF086  }
0x25: {  	[simem:s6], [sflag:s4] =	dma.local [hbm:s3], $0xF7A  }
0x26: {  	[smem:$0x3F94] =	sst s1;
	(tag) =	ssettag s2;
	_ =	strace s9  }
0x27: {  	s1 =	sld [smem:$0x3FA4]  }
0x28: {  	s2 =	sld [smem:$0x3FA5]  }
0x29: {  	s4 =	sld [smem:$0x3FA7]  }
0x2a: {  	p0 =	seq.s32 s5, $0x0;
	s5 =	sld [smem:$0x3FA8]  }
0x2b: {  	s6 =	sld [smem:$0x3FA9]  }
0x2c: {  	s7 =	sld [smem:$0x3FAA]  }
0x2d: {  	s3 =	simm.s32 $0x108;
	s8 =	sld [smem:$0x3FAB]  }
0x2e: {  	s3 =	simm.s32 @!p0 $0x1082;
	s9 =	sld [smem:$0x3FAC]  }
0x2f: {  	lr =	sadd.s32 s0, s3;
	s0 =	sld [smem:$0x3FA3]  }
0x30: {  	s3 =	sld [smem:$0x3FA6]  }
0x31: {  	[smem:$0x3FAF] =	sst s10  }
0x32: {  	s10 =	sld [smem:$0x3FAD];
	_ =	sdelay $0x3  }
0x33: {  	p0 =	seq.s32 s10, $0x1;
	s10 =	sld [smem:$0x3FAF];
	_ =	sdelay $0x3  }
0x34: {  	[smem:$0x3FAF] =	sst s10  }
0x35: {  	s10 =	sld [smem:$0x3FAE];
	_ =	sdelay $0x3  }
0x36: {  	p1 =	seq.s32 s10, $0x1;
	s10 =	sld [smem:$0x3FAF];
	_ =	sdelay $0x3  }
0x37: {  	[smem:$0x3FAF] =	sst s10  }
0x38: {  	s10 =	sld [smem:$0x3FB0]  }
0x39: {  	_ = 	snop;
	(pc) =	sbr.ind lr, $3  }
0x3a: {  	_ = 	snop  }
0x3b: {  	_ = 	snop  }
0x3c: {  	p2 =	seq.s32 s10, $0x1;
	s10 =	sld [smem:$0x3FAF]  }
0x3d: {  	_ =	shalt  }
0x3e: {  	_ =	shalt  }
0x3f: {  	_ =	shalt  }
0x40: {  	_ =	shalt  }
0x41: {  	_ =	shalt  }
0x42: {  	_ =	shalt  }
0x43: {  	_ =	shalt  }
0x44: {  	_ =	shalt  }
0x45: {  	_ =	shalt  }
0x46: {  	_ =	shalt  }
0x47: {  	_ =	shalt  }
0x48: {  	_ =	shalt  }
0x49: {  	_ =	shalt  }
0x4a: {  	_ =	shalt  }
0x4b: {  	_ =	shalt  }
0x4c: {  	_ =	shalt  }
0x4d: {  	_ =	shalt  }
0x4e: {  	_ =	shalt  }
0x4f: {  	_ =	shalt  }
0x50: {  	_ =	shalt  }
0x51: {  	_ =	shalt  }
0x52: {  	_ =	shalt  }
0x53: {  	_ =	shalt  }
0x54: {  	_ =	shalt  }
0x55: {  	_ =	shalt  }
0x56: {  	_ =	shalt  }
0x57: {  	_ =	shalt  }
0x58: {  	_ =	shalt  }
0x59: {  	_ =	shalt  }
0x5a: {  	_ =	shalt  }
0x5b: {  	_ =	shalt  }
0x5c: {  	_ =	shalt  }
0x5d: {  	_ =	shalt  }
0x5e: {  	_ =	shalt  }
0x5f: {  	_ =	shalt  }
0x60: {  	_ =	shalt  }
0x61: {  	_ =	shalt  }
0x62: {  	_ =	shalt  }
0x63: {  	_ =	shalt  }
0x64: {  	_ =	shalt  }
0x65: {  	_ =	shalt  }
0x66: {  	_ =	shalt  }
0x67: {  	_ =	shalt  }
0x68: {  	_ =	shalt  }
0x69: {  	_ =	shalt  }
0x6a: {  	_ =	shalt  }
0x6b: {  	_ =	shalt  }
0x6c: {  	_ =	shalt  }
0x6d: {  	_ =	shalt  }
0x6e: {  	_ =	shalt  }
0x6f: {  	_ =	shalt  }
0x70: {  	_ =	shalt  }
0x71: {  	_ =	shalt  }
0x72: {  	_ =	shalt  }
0x73: {  	_ =	shalt  }
0x74: {  	_ =	shalt  }
0x75: {  	_ =	shalt  }
0x76: {  	_ =	shalt  }
0x77: {  	_ =	shalt  }
0x78: {  	_ =	shalt  }
0x79: {  	_ =	shalt  }
0x7a: {  	_ =	shalt  }
0x7b: {  	_ =	shalt  }
0x7c: {  	_ =	shalt  }
0x7d: {  	_ =	shalt  }
0x7e: {  	_ =	shalt  }
0x7f: {  	_ =	shalt  }
0x80: {  	_ =	shalt  }
0x81: {  	_ =	shalt  }
0x82: {  	_ =	shalt  }
0x83: {  	_ =	shalt  }
0x84: {  	_ =	shalt  }
0x85: {  	_ =	shalt  }
0x86: {  	_ =	shalt  }
0x87: {  	_ =	shalt  }
.Lfunc_end0:
.L_simem_size_0:
called_computation_lowered:
.L_overlay_start_0:
0x88: {  	s2 =	sld [smem:$0x3FD9]  }
0x89: {  	s3 =	sld [smem:$0x3FFE];
	_ =	sdelay $0x1  }
0x8a: {  	s1 =	srdreg.scid  }
0x8b: {  	s0 =	sand.u32 $0x1, s1  }
0x8c: {  	s17 =	sshll.u32 s0, $0xA;
	s2 =	sadd.s32 s3, s2  }
0x8d: {  	s2 =	sadd.s32 s2, s17  }
0x8e: {  	[smem:$0x3FBB] =	sst s2  }
0x8f: {  	_ = 	snop  }
0x90: {  	s2 =	sld [smem:$0x3FC7]  }
0x91: {  	s18 =	sld [smem:$0x3FC2]  }
0x92: {  	s4 =	sld [smem:$0x3FD0];
	(tm) =	ssettm $0x1  }
0x93: {  	s5 =	sld [smem:$0x3FFB];
	_ =	sdelay $0x3  }
0x94: {  	_ =	strace s5  }
0x95: {  	s5 =	sld [smem:$0x3FFC];
	_ =	sdelay $0x3  }
0x96: {  	_ =	strace s5  }
0x97: {  	s5 =	sld [smem:$0x3FFD];
	_ =	sdelay $0x3  }
0x98: {  	_ =	strace s5  }
0x99: {  	_ =	strace $0x8FFFFFFF  }
0x9a: {  	s19 =	sld [smem:$0x3FDB];
	_ =	sdelay $0x1  }
0x9b: {  	s6 =	simm.s32 $_scs_section_size  }
0x9c: {  	s7 =	simm.s32 $_size__tile_overlayer_lowered;
	s8 =	simm.s32 $_tile_overlayer_lowered  }
0x9d: {  	s22 =	simm.s32 $0x1BFF;
	s21 =	sshll.u32 s8, $0x1;
	s5 =	sadd.s32 s6, s19  }
0x9e: {  	s9 =	simm.s32 $0x0;
	s20 =	sshll.u32 s7, $0x1;
	s7 =	sadd.s32 s21, s5  }
0x9f: {  	[timem:s9], [sflag:s22] =	dma.local [hbm:s7], s20  }
0xa0: {  	_ =	swait.ge [sflag:s22], s20  }
0xa1: {  	s6 =	ssub.s32 $0x0, s20;
	[sflag:s22] =	ssyncset.done $0x0  }
0xa2: {  	[sflag:s22] =	ssyncadd.s32 s6;
	_ =	sdelay $0x1  }
0xa3: {  	s23 =	simm.s32 $0x1B8B  }
0xa4: {  	_ =	swait.ge [sflag:s23], $0x1  }
0xa5: {  	[sflag:s23] =	ssyncset.done $0x0  }
0xa6: {  	s25 =	simm.s32 $0x1B8E;
	s24 =	sld [smem:$0x3FFE];
	[sflag:s23] =	ssyncadd.s32 $0xFFFFFFFF  }
0xa7: {  	s26 =	simm.s32 $execute0_lowered;
	[smem:$0x3FD2] =	sst s25  }
0xa8: {  	s7 =	sshll.u32 s26, $0x1;
	_ =	strace $0x80000046;
	[dreg:$0x1] =	wrdreg $0xFFFFFFFF  }
0xa9: {  	s28 =	simm.s32 $_size_execute0_lowered;
	s5 =	sadd.s32 s5, s7;
	[dreg:$0x0] =	wrdreg $0x0  }
0xaa: {  	s7 =	sshll.u32 s28, $0x1;
	[dreg:$0x2] =	wrdreg s5  }
0xab: {  	[dreg:$0x3] =	wrdreg s7  }
0xac: {  	[dreg:$0x4] =	wrdreg $0xC0  }
0xad: {  	_ =	task [dreg:s9], $0x5FFFF  }
0xae: {  	[dreg:$0x1] =	wrdreg $0xFFFFFFFF  }
0xaf: {  	[dreg:$0x0] =	wrdreg $0x60  }
0xb0: {  	[dreg:$0x2] =	wrdreg s2  }
0xb1: {  	[dreg:$0x3] =	wrdreg s18  }
0xb2: {  	[dreg:$0x4] =	wrdreg s24  }
0xb3: {  	[dreg:$0x5] =	wrdreg s4  }
0xb4: {  	[dreg:$0x6] =	wrdreg $0x9  }
0xb5: {  	_ =	task.clear_ibuf [dreg:s9], $0x7FFFF;
	_ =	strace $0x90000046  }
0xb6: {  	s29 =	simm.s32 $0x9;
	_ =	strace $0x80000048  }
0xb7: {  	_ =	swait.ge [sflag:s29], $0x1  }
0xb8: {  	[sflag:s29] =	ssyncadd.s32 $0xFFFFFFFF  }
0xb9: {  	_ =	strace $0x90000048  }
0xba: {  	_ =	sfence  }
0xbb: {  	s30 =	sld [smem:$0x0];
	_ =	sdelay $0x2  }
0xbc: {  	s31 =	sshll.u32 s1, $0xD;
	s1 =	sshrl.u32 s1, $0x2  }
0xbd: {  	s3 =	sand.u32 $0x4000, s31;
	s1 =	sadd.s32 s1, s30  }
0xbe: {  	s0 =	sor.u32 s3, s0;
	s1 =	sshll.u32 s1, $0x11  }
0xbf: {  	s0 =	sor.u32 s1, s0  }
0xc0: {  	s0 =	sadd.s32 $0x8F2B, s0  }
0xc1: {  	[sflag:s0] =	ssyncadd.remote.s32 $0x1  }
0xc2: {  	_ =	sfence.sel $0xFFFF  }
0xc3: {  	[dreg:$0x0] =	wrdreg $0xFFFFFFFF;
	(pc) =	sbr.abs _section_cstart, $3  }
0xc4: {  	[dreg:$0x1] =	wrdreg $0xFFFFFFFF  }
0xc5: {  	_ =	task.clear_ibuf [dreg:s9], $0x2FFFF;
	_ =	strace $0x9FFFFFFF  }
0xc6: {  	(tm) =	ssettm $0x7FFFFFFF  }
0xc7: {  	_ =	shalt  }
tec
execute0_lowered:
.L_overlay_start_1:
0x0: {  	(tag) =	ssettag $0x1  }
0x1: {  	s1 =	rddreg [dreg:$0x0]  }
0x2: {  	s2 =	rddreg [dreg:$0x1]  }
0x3: {  	s0 =	rddreg [dreg:$0x2];
	s4 =	srdreg.scid  }
0x4: {  	s5 =	rddreg [dreg:$0x3];
	s6 =	sand.u32 $0x1, s4;
	s4 =	simm.s32 $0x0  }
0x5: {  	s9 =	sadd.s32 $0x3400, s0;
	[smem:$0x7FF] =	sst s4  }
0x6: {  	s22 =	simm.s32 $0x80;
	_ =	strace $0x80000047;
	[dreg:$0x5] =	wrdreg s9  }
0x7: {  	s3 =	stileid.u32;
	s23 =	simm.s32 $0x980;
	[dreg:$0xc] =	wrdreg s22  }
0x8: {  	s24 =	simm.s32 $0x1180;
	s25 =	simm.s32 $0x1980;
	[dreg:$0xd] =	wrdreg s23  }
0x9: {  	s26 =	simm.s32 $0x2180;
	s13 =	simm.s32 $0x6980;
	[dreg:$0xe] =	wrdreg s24  }
0xa: {  	s14 =	simm.s32 $0x7180;
	s28 =	simm.s32 $0x40;
	[dreg:$0xf] =	wrdreg s25  }
0xb: {  	s7 =	sshll.u32 s3, $0x7;
	s3 =	simm.s32 $0x2980;
	[dreg:$0x10] =	wrdreg s26  }
0xc: {  	s29 =	simm.s32 $0x14180;
	s30 =	simm.s32 $0x1;
	[dreg:$0x11] =	wrdreg s3  }
0xd: {  	s31 =	simm.s32 $0x2;
	s8 =	sshll.u32 s6, $0x6;
	[dreg:$0x19] =	wrdreg s13  }
0xe: {  	s15 =	ssub.s32 $0x2, s6;
	s9 =	simm.s32 $0x4980;
	[dreg:$0x1a] =	wrdreg s14  }
0xf: {  	s7 =	sor.u32 s8, s7;
	s22 =	simm.s32 $0xA180;
	[dreg:$0x15] =	wrdreg s9  }
0x10: {  	s6 =	sshrl.u32 s15, $0x1;
	s23 =	simm.s32 $0xA980;
	[smem:$0x7F9] =	sst s22  }
0x11: {  	s24 =	simm.s32 $0xB180;
	s25 =	simm.s32 $0xB980;
	[smem:$0x7FA] =	sst s23  }
0x12: {  	s26 =	simm.s32 $0xC180;
	s8 =	sshrl.u32 s7, $0x3;
	[smem:$0x7FB] =	sst s24  }
0x13: {  	s11 =	sshll.u32 s7, $0x7;
	s12 =	sshll.u32 s7, $0x5;
	[smem:$0x7FC] =	sst s25  }
0x14: {  	s7 =	sshll.u32 s7, $0x4;
	[smem:$0x7FD] =	sst s26;
	s10 =	sadd.s32 s8, s0  }
0x15: {  	s16 =	sadd.s32 s11, s0;
	s5 =	sadd.s32 s5, s8;
	s18 =	sadd.s32 s12, s0  }
0x16: {  	s0 =	sadd.s32 s7, s0;
	s7 =	simm.s32 $0x3980;
	[dreg:$0x7] =	wrdreg s5  }
0x17: {  	s13 =	simm.s32 $0xD180;
	s8 =	simm.s32 $0x4180;
	[dreg:$0x13] =	wrdreg s7  }
0x18: {  	s14 =	simm.s32 $0xD980;
	s11 =	simm.s32 $0x5980;
	[dreg:$0x14] =	wrdreg s8  }
0x19: {  	s9 =	simm.s32 $0x4;
	s12 =	simm.s32 $0x6180;
	[dreg:$0x17] =	wrdreg s11  }
0x1a: {  	s22 =	simm.s32 $0x11980;
	s17 =	sadd.s32 $0x51600, s10;
	[dreg:$0x18] =	wrdreg s12  }
0x1b: {  	s23 =	simm.s32 $0x12180;
	s19 =	sadd.s32 $0x51800, s10;
	[dreg:$0x6] =	wrdreg s17  }
0x1c: {  	s24 =	simm.s32 $0x12980;
	s20 =	sadd.s32 $0x69A00, s16;
	[dreg:$0x8] =	wrdreg s19  }
0x1d: {  	s25 =	simm.s32 $0x13180;
	s21 =	sadd.s32 $0x51A00, s18;
	[dreg:$0x9] =	wrdreg s20  }
0x1e: {  	s26 =	simm.s32 $0x13980;
	s0 =	sadd.s32 $0x61A00, s0;
	[dreg:$0xa] =	wrdreg s21  }
0x1f: {  	s5 =	simm.s32 $0x3180;
	s10 =	simm.s32 $0x5180;
	[dreg:$0xb] =	wrdreg s0  }
0x20: {  	s16 =	simm.s32 $0x7980;
	s18 =	ssub.s32 s15, s6;
	[dreg:$0x12] =	wrdreg s5  }
0x21: {  	s6 =	sadd.s32 $0x200, s1;
	s7 =	sadd.s32 $0x300, s1;
	[dreg:$0x16] =	wrdreg s10  }
0x22: {  	s11 =	simm.s32 $0x180;
	s15 =	simm.s32 $0xE180;
	[dreg:$0x1b] =	wrdreg s16  }
0x23: {  	s17 =	simm.s32 $0x8180;
	s19 =	simm.s32 $0x8980;
	s5 =	sadd.s32 $0x100, s1  }
0x24: {  	s20 =	simm.s32 $0x9180;
	s21 =	simm.s32 $0x9980;
	[dreg:$0x1c] =	wrdreg s17  }
0x25: {  	s8 =	smax.u32 s18, $0x1;
	s10 =	simm.s32 $0x100;
	[dreg:$0x1d] =	wrdreg s19  }
0x26: {  	v2 =	vlaneseq.u32;
	s16 =	simm.s32 $0xE980;
	s18 =	simm.s32 $0xF980;
	[dreg:$0x1e] =	wrdreg s20  }
0x27: {  	vm0 =	vmmov $0xffff;
	v1 =	vshrl.u32 v2, $0x3;
	s0 =	simm.s32 $0x3;
	[dreg:$0x1f] =	wrdreg s21;
	s17 =	simm.s32 $0xF180  }
0x28: {  	v0 =	vand.u32 $0x7, v2;
	v2 =	vor.u32 $0x8, v2;
	v1 =	vmul.u32 $0x8, v1;
	s19 =	simm.s32 $0x10180;
	s20 =	simm.s32 $0x10980;
	s21 =	simm.s32 $0x11180  }
.LBB2_1:
0x29: {  	s3 =	rddreg [dreg:$0x6]  }
0x2a: {  	[tilespmem:s4], [sflag:$0x4] =	stream.linear.gather [hbm4b:s3+s4], $0x40, $0x38;
	[tilespmem:$0x16180] =	vst v63  }
0x2b: {  	_ =	swait.ge [sflag:s9], $0x40  }
0x2c: {  	s3 =	rddreg [dreg:$0x7];
	[sflag:s9] =	ssyncset.done $0x0  }
0x2d: {  	s12 =	rddreg [dreg:$0xc];
	[sflag:s9] =	ssyncadd.s32 $0xFFFFFFC0  }
0x2e: {  	[tilespmem:s12], [sflag:$0x4] =	stream.linear.gather [hbm4b:s3+s4], $0x40, $0x38;
	[tilespmem:$0x16180] =	vst v63  }
0x2f: {  	_ =	swait.ge [sflag:s9], $0x40  }
0x30: {  	[sflag:s9] =	ssyncset.done $0x0  }
0x31: {  	s12 =	rddreg [dreg:$0x8];
	[sflag:s9] =	ssyncadd.s32 $0xFFFFFFC0  }
0x32: {  	[tilespmem:s10], [sflag:$0x4] =	stream.linear.gather [hbm4b:s12+s4], $0x40, $0x38;
	[tilespmem:$0x16180] =	vst v63  }
0x33: {  	_ =	swait.ge [sflag:s9], $0x40  }
0x34: {  	[sflag:s9] =	ssyncset.done $0x0  }
0x35: {  	[sflag:s9] =	ssyncadd.s32 $0xFFFFFFC0  }
0x36: {  	v3 =	vld [tilespmem:$0x0];
	_ =	sdelay $0x4  }
0x37: {  	v4 =	vshll.u32 v3, $0x3  }
0x38: {  	v3 =	vand.u32 $0x7, v3;
	v4 =	vand.u32 $0xFFFFFFC0, v4  }
0x39: {  	v3 =	vor.u32 v3, v4  }
0x3a: {  	v4 =	vperm.xlane v3, v0;
	_ =	sdelay $0x1  }
0x3b: {  	v4 =	vadd.s32 v1, v4;
	_ =	sdelay $0x4  }
0x3c: {  	[tilespmem:s11], [sflag:$0x1] =	stream.indirect_vreg.gather [hbm4b:s1+s4], $0x80, v4, vm0, $0xb8;
	[tilespmem:$0x16180] =	vst v63  }
0x3d: {  	s3 =	rddreg [dreg:$0xd];
	v3 =	vperm.xlane v3, v2  }
0x3e: {  	[tilespmem:s3], [sflag:$0x1] =	stream.indirect_vreg.gather [hbm4b:s5+s4], $0x80, v4, vm0, $0xb8;
	[tilespmem:$0x16180] =	vst v63  }
0x3f: {  	s12 =	rddreg [dreg:$0xe];
	v3 =	vadd.s32 v1, v3  }
0x40: {  	[tilespmem:s12], [sflag:$0x1] =	stream.indirect_vreg.gather [hbm4b:s6+s4], $0x80, v4, vm0, $0xb8;
	[tilespmem:$0x16180] =	vst v63  }
0x41: {  	s3 =	rddreg [dreg:$0xf]  }
0x42: {  	[tilespmem:s3], [sflag:$0x1] =	stream.indirect_vreg.gather [hbm4b:s7+s4], $0x80, v4, vm0, $0xb8;
	[tilespmem:$0x16180] =	vst v63  }
0x43: {  	s12 =	rddreg [dreg:$0x10]  }
0x44: {  	[tilespmem:s12], [sflag:$0x1] =	stream.indirect_vreg.gather [hbm4b:s1+s4], $0x80, v3, vm0, $0xb8;
	[tilespmem:$0x16180] =	vst v63  }
0x45: {  	s3 =	rddreg [dreg:$0x11]  }
0x46: {  	[tilespmem:s3], [sflag:$0x1] =	stream.indirect_vreg.gather [hbm4b:s5+s4], $0x80, v3, vm0, $0xb8;
	[tilespmem:$0x16180] =	vst v63  }
0x47: {  	s12 =	rddreg [dreg:$0x12]  }
0x48: {  	[tilespmem:s12], [sflag:$0x1] =	stream.indirect_vreg.gather [hbm4b:s6+s4], $0x80, v3, vm0, $0xb8;
	[tilespmem:$0x16180] =	vst v63  }
0x49: {  	s3 =	rddreg [dreg:$0x13]  }
0x4a: {  	[tilespmem:s3], [sflag:$0x1] =	stream.indirect_vreg.gather [hbm4b:s7+s4], $0x80, v3, vm0, $0xb8;
	[tilespmem:$0x16180] =	vst v63  }
0x4b: {  	v3 =	vld [tilespmem:$0x10];
	_ =	sdelay $0x4  }
0x4c: {  	v57 =	vshll.u32 v3, $0x3  }
0x4d: {  	v3 =	vand.u32 $0x7, v3;
	v4 =	vand.u32 $0xFFFFFFC0, v57  }
0x4e: {  	v3 =	vor.u32 v3, v4  }
0x4f: {  	v4 =	vperm.xlane v3, v0;
	_ =	sdelay $0x1  }
0x50: {  	v4 =	vadd.s32 v1, v4;
	_ =	sdelay $0x3  }
0x51: {  	s3 =	rddreg [dreg:$0x14]  }
0x52: {  	[tilespmem:s3], [sflag:$0x1] =	stream.indirect_vreg.gather [hbm4b:s1+s4], $0x80, v4, vm0, $0xb8;
	[tilespmem:$0x16180] =	vst v63  }
0x53: {  	s12 =	rddreg [dreg:$0x15];
	v3 =	vperm.xlane v3, v2  }
0x54: {  	[tilespmem:s12], [sflag:$0x1] =	stream.indirect_vreg.gather [hbm4b:s5+s4], $0x80, v4, vm0, $0xb8;
	[tilespmem:$0x16180] =	vst v63  }
0x55: {  	v3 =	vadd.s32 v1, v3;
	s3 =	rddreg [dreg:$0x16]  }
0x56: {  	[tilespmem:s3], [sflag:$0x1] =	stream.indirect_vreg.gather [hbm4b:s6+s4], $0x80, v4, vm0, $0xb8;
	[tilespmem:$0x16180] =	vst v63  }
0x57: {  	s12 =	rddreg [dreg:$0x17]  }
0x58: {  	[tilespmem:s12], [sflag:$0x1] =	stream.indirect_vreg.gather [hbm4b:s7+s4], $0x80, v4, vm0, $0xb8;
	[tilespmem:$0x16180] =	vst v63  }
0x59: {  	s3 =	rddreg [dreg:$0x18]  }
0x5a: {  	[tilespmem:s3], [sflag:$0x1] =	stream.indirect_vreg.gather [hbm4b:s1+s4], $0x80, v3, vm0, $0xb8;
	[tilespmem:$0x16180] =	vst v63  }
0x5b: {  	s12 =	rddreg [dreg:$0x19]  }
0x5c: {  	[tilespmem:s12], [sflag:$0x1] =	stream.indirect_vreg.gather [hbm4b:s5+s4], $0x80, v3, vm0, $0xb8;
	[tilespmem:$0x16180] =	vst v63  }
0x5d: {  	s3 =	rddreg [dreg:$0x1a]  }
0x5e: {  	[tilespmem:s3], [sflag:$0x1] =	stream.indirect_vreg.gather [hbm4b:s6+s4], $0x80, v3, vm0, $0xb8;
	[tilespmem:$0x16180] =	vst v63  }
0x5f: {  	s12 =	rddreg [dreg:$0x1b]  }
0x60: {  	[tilespmem:s12], [sflag:$0x1] =	stream.indirect_vreg.gather [hbm4b:s7+s4], $0x80, v3, vm0, $0xb8;
	[tilespmem:$0x16180] =	vst v63  }
0x61: {  	v3 =	vld [tilespmem:$0x20];
	_ =	sdelay $0x4  }
0x62: {  	v58 =	vshll.u32 v3, $0x3  }
0x63: {  	v3 =	vand.u32 $0x7, v3;
	v4 =	vand.u32 $0xFFFFFFC0, v58  }
0x64: {  	v3 =	vor.u32 v3, v4  }
0x65: {  	v4 =	vperm.xlane v3, v0;
	_ =	sdelay $0x1  }
0x66: {  	v4 =	vadd.s32 v1, v4;
	_ =	sdelay $0x2  }
0x67: {  	s3 =	rddreg [dreg:$0x1c]  }
0x68: {  	s12 =	rddreg [dreg:$0x1d]  }
0x69: {  	[tilespmem:s3], [sflag:$0x1] =	stream.indirect_vreg.gather [hbm4b:s1+s4], $0x80, v4, vm0, $0xb8;
	[tilespmem:$0x16180] =	vst v63  }
0x6a: {  	v3 =	vperm.xlane v3, v2;
	s3 =	rddreg [dreg:$0x1e]  }
0x6b: {  	[tilespmem:s12], [sflag:$0x1] =	stream.indirect_vreg.gather [hbm4b:s5+s4], $0x80, v4, vm0, $0xb8;
	[tilespmem:$0x16180] =	vst v63  }
0x6c: {  	v3 =	vadd.s32 v1, v3;
	s12 =	rddreg [dreg:$0x1f]  }
0x6d: {  	[tilespmem:s3], [sflag:$0x1] =	stream.indirect_vreg.gather [hbm4b:s6+s4], $0x80, v4, vm0, $0xb8;
	[tilespmem:$0x16180] =	vst v63  }
0x6e: {  	s3 =	sld [smem:$0x7F9]  }
0x6f: {  	[tilespmem:s12], [sflag:$0x1] =	stream.indirect_vreg.gather [hbm4b:s7+s4], $0x80, v4, vm0, $0xb8;
	[tilespmem:$0x16180] =	vst v63  }
0x70: {  	s12 =	sld [smem:$0x7FA]  }
0x71: {  	[tilespmem:s3], [sflag:$0x1] =	stream.indirect_vreg.gather [hbm4b:s1+s4], $0x80, v3, vm0, $0xb8;
	[tilespmem:$0x16180] =	vst v63  }
0x72: {  	s3 =	sld [smem:$0x7FB]  }
0x73: {  	[tilespmem:s12], [sflag:$0x1] =	stream.indirect_vreg.gather [hbm4b:s5+s4], $0x80, v3, vm0, $0xb8;
	[tilespmem:$0x16180] =	vst v63  }
0x74: {  	s12 =	sld [smem:$0x7FC]  }
0x75: {  	[tilespmem:s3], [sflag:$0x1] =	stream.indirect_vreg.gather [hbm4b:s6+s4], $0x80, v3, vm0, $0xb8;
	[tilespmem:$0x16180] =	vst v63  }
0x76: {  	_ = 	snop  }
0x77: {  	[tilespmem:s12], [sflag:$0x1] =	stream.indirect_vreg.gather [hbm4b:s7+s4], $0x80, v3, vm0, $0xb8;
	[tilespmem:$0x16180] =	vst v63  }
0x78: {  	v3 =	vld [tilespmem:$0x30];
	_ =	sdelay $0x4  }
0x79: {  	v59 =	vshll.u32 v3, $0x3  }
0x7a: {  	v3 =	vand.u32 $0x7, v3;
	v4 =	vand.u32 $0xFFFFFFC0, v59  }
0x7b: {  	v3 =	vor.u32 v3, v4  }
0x7c: {  	v4 =	vperm.xlane v3, v0;
	_ =	sdelay $0x1  }
0x7d: {  	v4 =	vadd.s32 v1, v4;
	_ =	sdelay $0x1  }
0x7e: {  	s12 =	sld [smem:$0x7FD];
	_ =	sdelay $0x2  }
0x7f: {  	[tilespmem:s12], [sflag:$0x1] =	stream.indirect_vreg.gather [hbm4b:s1+s4], $0x80, v4, vm0, $0xb8;
	[tilespmem:$0x16180] =	vst v63  }
0x80: {  	v3 =	vperm.xlane v3, v2;
	s12 =	simm.s32 $0xC980  }
0x81: {  	[tilespmem:s12], [sflag:$0x1] =	stream.indirect_vreg.gather [hbm4b:s5+s4], $0x80, v4, vm0, $0xb8;
	[tilespmem:$0x16180] =	vst v63  }
0x82: {  	v3 =	vadd.s32 v1, v3  }
0x83: {  	[tilespmem:s13], [sflag:$0x1] =	stream.indirect_vreg.gather [hbm4b:s6+s4], $0x80, v4, vm0, $0xb8;
	[tilespmem:$0x16180] =	vst v63  }
0x84: {  	_ = 	snop  }
0x85: {  	[tilespmem:s14], [sflag:$0x1] =	stream.indirect_vreg.gather [hbm4b:s7+s4], $0x80, v4, vm0, $0xb8;
	[tilespmem:$0x16180] =	vst v63  }
0x86: {  	_ = 	snop  }
0x87: {  	[tilespmem:s15], [sflag:$0x1] =	stream.indirect_vreg.gather [hbm4b:s1+s4], $0x80, v3, vm0, $0xb8;
	[tilespmem:$0x16180] =	vst v63  }
0x88: {  	_ = 	snop  }
0x89: {  	[tilespmem:s16], [sflag:$0x1] =	stream.indirect_vreg.gather [hbm4b:s5+s4], $0x80, v3, vm0, $0xb8;
	[tilespmem:$0x16180] =	vst v63  }
0x8a: {  	_ = 	snop  }
0x8b: {  	[tilespmem:s17], [sflag:$0x1] =	stream.indirect_vreg.gather [hbm4b:s6+s4], $0x80, v3, vm0, $0xb8;
	[tilespmem:$0x16180] =	vst v63  }
0x8c: {  	_ = 	snop  }
0x8d: {  	[tilespmem:s18], [sflag:$0x1] =	stream.indirect_vreg.gather [hbm4b:s7+s4], $0x80, v3, vm0, $0xb8;
	[tilespmem:$0x16180] =	vst v63  }
0x8e: {  	v3 =	vld [tilespmem:$0x80];
	_ =	sdelay $0x4  }
0x8f: {  	v60 =	vshll.u32 v3, $0x1  }
0x90: {  	v3 =	vand.u32 $0x7, v3;
	v4 =	vand.u32 $0xFFFFFFF0, v60  }
0x91: {  	v3 =	vor.u32 v3, v4  }
0x92: {  	v4 =	vperm.xlane v3, v0;
	_ =	sdelay $0x1  }
0x93: {  	v3 =	vperm.xlane v3, v2;
	v4 =	vadd.s32 v1, v4;
	_ =	sdelay $0x1  }
0x94: {  	v3 =	vadd.s32 v1, v3;
	_ =	sdelay $0x2  }
0x95: {  	[tilespmem:s19], [sflag:$0x2] =	stream.indirect_vreg.gather [hbm4b:s2+s4], $0x80, v4, vm0, $0xb8;
	[tilespmem:$0x16180] =	vst v63  }
0x96: {  	_ = 	snop  }
0x97: {  	[tilespmem:s20], [sflag:$0x2] =	stream.indirect_vreg.gather [hbm4b:s2+s4], $0x80, v3, vm0, $0xb8;
	[tilespmem:$0x16180] =	vst v63  }
0x98: {  	v3 =	vld [tilespmem:$0x90];
	_ =	sdelay $0x4  }
0x99: {  	v61 =	vshll.u32 v3, $0x1  }
0x9a: {  	v3 =	vand.u32 $0x7, v3;
	v4 =	vand.u32 $0xFFFFFFF0, v61  }
0x9b: {  	v3 =	vor.u32 v3, v4  }
0x9c: {  	v4 =	vperm.xlane v3, v0;
	_ =	sdelay $0x1  }
0x9d: {  	v3 =	vperm.xlane v3, v2;
	v4 =	vadd.s32 v1, v4;
	_ =	sdelay $0x1  }
0x9e: {  	v3 =	vadd.s32 v1, v3;
	_ =	sdelay $0x2  }
0x9f: {  	[tilespmem:s21], [sflag:$0x2] =	stream.indirect_vreg.gather [hbm4b:s2+s4], $0x80, v4, vm0, $0xb8;
	[tilespmem:$0x16180] =	vst v63  }
0xa0: {  	_ = 	snop  }
0xa1: {  	[tilespmem:s22], [sflag:$0x2] =	stream.indirect_vreg.gather [hbm4b:s2+s4], $0x80, v3, vm0, $0xb8;
	[tilespmem:$0x16180] =	vst v63  }
0xa2: {  	v3 =	vld [tilespmem:$0xA0];
	_ =	sdelay $0x4  }
0xa3: {  	v62 =	vshll.u32 v3, $0x1  }
0xa4: {  	v3 =	vand.u32 $0x7, v3;
	v4 =	vand.u32 $0xFFFFFFF0, v62  }
0xa5: {  	v3 =	vor.u32 v3, v4  }
0xa6: {  	v4 =	vperm.xlane v3, v0;
	_ =	sdelay $0x1  }
0xa7: {  	v3 =	vperm.xlane v3, v2;
	v4 =	vadd.s32 v1, v4;
	_ =	sdelay $0x1  }
0xa8: {  	v3 =	vadd.s32 v1, v3;
	_ =	sdelay $0x2  }
0xa9: {  	[tilespmem:s23], [sflag:$0x2] =	stream.indirect_vreg.gather [hbm4b:s2+s4], $0x80, v4, vm0, $0xb8;
	[tilespmem:$0x16180] =	vst v63  }
0xaa: {  	_ = 	snop  }
0xab: {  	[tilespmem:s24], [sflag:$0x2] =	stream.indirect_vreg.gather [hbm4b:s2+s4], $0x80, v3, vm0, $0xb8;
	[tilespmem:$0x16180] =	vst v63  }
0xac: {  	v3 =	vld [tilespmem:$0xB0];
	_ =	sdelay $0x4  }
0xad: {  	v63 =	vshll.u32 v3, $0x1  }
0xae: {  	v3 =	vand.u32 $0x7, v3;
	v4 =	vand.u32 $0xFFFFFFF0, v63  }
0xaf: {  	v3 =	vor.u32 v3, v4  }
0xb0: {  	v4 =	vperm.xlane v3, v0;
	_ =	sdelay $0x1  }
0xb1: {  	v3 =	vperm.xlane v3, v2;
	v4 =	vadd.s32 v1, v4;
	_ =	sdelay $0x1  }
0xb2: {  	v3 =	vadd.s32 v1, v3;
	_ =	sdelay $0x2  }
0xb3: {  	[tilespmem:s25], [sflag:$0x2] =	stream.indirect_vreg.gather [hbm4b:s2+s4], $0x80, v4, vm0, $0xb8;
	[tilespmem:$0x16180] =	vst v63  }
0xb4: {  	_ = 	snop  }
0xb5: {  	[tilespmem:s26], [sflag:$0x2] =	stream.indirect_vreg.gather [hbm4b:s2+s4], $0x80, v3, vm0, $0xb8;
	[tilespmem:$0x16180] =	vst v63  }
0xb6: {  	s12 =	rddreg [dreg:$0x5]  }
0xb7: {  	[tilespmem:s29], [sflag:$0x3] =	stream.indirect.gather [hbm4b:s12+s28], $0x80, s10, s28, $0xb8;
	[tilespmem:$0x16180] =	vst v63  }
0xb8: {  	_ =	swait.ge [sflag:s30], $0x10000  }
0xb9: {  	[sflag:s30] =	ssyncset.done $0x0  }
0xba: {  	[sflag:s30] =	ssyncadd.s32 $0xFFFF0000  }
0xbb: {  	_ =	swait.ge [sflag:s31], $0x4000  }
0xbc: {  	[sflag:s31] =	ssyncset.done $0x0  }
0xbd: {  	[sflag:s31] =	ssyncadd.s32 $0xFFFFC000  }
0xbe: {  	_ =	swait.ge [sflag:s0], $0x2000  }
0xbf: {  	[sflag:s0] =	ssyncset.done $0x0  }
0xc0: {  	s12 =	rddreg [dreg:$0x9];
	[sflag:s0] =	ssyncadd.s32 $0xFFFFE000  }
0xc1: {  	[hbm4b:s12+s4] =	stream.linear.scatter [tilespmem:s11], [sflag:$0x4], $0x10000, $0x38;
	[tilespmem:$0x16180] =	vst v63  }
0xc2: {  	_ =	swait.ge [sflag:s9], $0x10000  }
0xc3: {  	[sflag:s9] =	ssyncset.done $0x0  }
0xc4: {  	s12 =	rddreg [dreg:$0xa];
	[sflag:s9] =	ssyncadd.s32 $0xFFFF0000  }
0xc5: {  	[hbm4b:s12+s4] =	stream.linear.scatter [tilespmem:s19], [sflag:$0x4], $0x4000, $0x38;
	[tilespmem:$0x16180] =	vst v63  }
0xc6: {  	_ =	swait.ge [sflag:s9], $0x4000  }
0xc7: {  	p0 =	sne.s32 s8, $0x1;
	[sflag:s9] =	ssyncset.done $0x0  }
.Ltmp0:
0xc8: {  	s12 =	rddreg [dreg:$0xb];
	[sflag:s9] =	ssyncadd.s32 $0xFFFFC000;
	(pc) =	sbr.rel @p0 .LBB2_1-.Ltmp0, $4  }
0xc9: {  	[hbm4b:s12+s4] =	stream.linear.scatter [tilespmem:s29], [sflag:$0x4], $0x2000, $0x38;
	[tilespmem:$0x16180] =	vst v63  }
0xca: {  	_ =	swait.ge [sflag:s9], $0x2000  }
0xcb: {  	[sflag:s9] =	ssyncset.done $0x0  }
0xcc: {  	s8 =	sadd.s32 $0xFFFFFFFF, s8;
	[sflag:s9] =	ssyncadd.s32 $0xFFFFE000  }
0xcd: {  	_ =	sfence.sel $0x180000  }
0xce: {  	[bflag:$0x0] =	sbarrier.arrive $0xFFFF  }
0xcf: {  	_ =	strace $0x90000047  }
0xd0: {  	s0 =	stileid.u32;
	[bflag:$0x2] =	sbarrier.arrive $0xFFFF  }
0xd1: {  	p0 =	sne.s32 s0, $0x0;
	s0 =	rddreg [dreg:$0x4]  }
0xd2: {  	s0 =	sadd.s32 @!p0 $0x100000, s0  }
0xd3: {  	[sflag:s0] =	ssyncadd.tile.s32 @!p0 $0x1;
	_ =	shalt  }
.Lfunc_end2:
_tile_overlayer_lowered:
.L_overlay_start_2:
0xd4: {  	(tag) =	ssettag $0x2  }
0xd5: {  	s0 =	rddreg [dreg:$0x0];
	s2 =	stileid.u32  }
0xd6: {  	s1 =	rddreg [dreg:$0x1];
	p0 =	sne.s32 s2, $0x0  }
0xd7: {  	s3 =	rddreg [dreg:$0x2];
	[bflag:$0x3] =	sbarrier.arrive $0xFFFF;
	s2 =	simm.s32 @!p0 $0x1C04  }
0xd8: {  	[timem:s3], [sflag:s2] =	dma.local @!p0 [hbm:s0], s1  }
0xd9: {  	s0 =	simm.s32 @!p0 $0x4  }
0xda: {  	_ =	swait.ge @!p0 [sflag:s0], s1  }
0xdb: {  	s1 =	ssub.s32 @!p0 $0x0, s1;
	[sflag:s0] =	ssyncset.done @!p0 $0x0  }
0xdc: {  	[sflag:s0] =	ssyncadd.s32 @!p0 s1  }
0xdd: {  	[bflag:$0x3] =	sbarrier.arrive $0xFFFF  }
0xde: {  	_ =	shalt  }

</sc_bundles>
